<compile_context>
chip_gen: v7x
topology: tpu7x:2x2x1
jax: 0.10.2.dev20260603
libtpu: 0.0.44.dev20260713+nightly
codegen_flags: <defaults>
</compile_context>

<pallas_src>
import functools

import jax
import jax.numpy as jnp
from jax import lax
from jax.experimental import pallas as pl
from jax.experimental.pallas import tpu as pltpu
from jax.experimental.pallas import tpu_sc as plsc


def _transform_body(x_ref, f_ref, o_ref):
    x = x_ref[0].astype(jnp.bfloat16)
    sub = x.shape[1] // 8
    parts = [
        lax.dot_general(
            x[:, s * sub:(s + 1) * sub], f_ref[s],
            (((0,), (0,)), ((), ())),
            preferred_element_type=jnp.float32,
        )
        for s in range(8)
    ]
    while len(parts) > 1:
        parts = [a + b for a, b in zip(parts[::2], parts[1::2])]
    o_ref[0] = parts[0].astype(jnp.bfloat16)


def _tc_transform(tables_t, f, j0, j_n, vb=8192):
    _, d, v = tables_t.shape
    assert d == 16
    gv = (v + vb - 1) // vb
    sub = vb // 8
    return pl.pallas_call(
        _transform_body,
        grid=(j_n, gv),
        in_specs=[
            pl.BlockSpec((1, d, vb), lambda j, g: (j + j0, 0, g)),
            pl.BlockSpec((8, d, 128), lambda j, g: (0, 0, 0)),
        ],
        out_specs=pl.BlockSpec((1, sub, 128), lambda j, g: (j, g, 0)),
        out_shape=jax.ShapeDtypeStruct((j_n, gv * sub, 128), jnp.bfloat16),
    )(tables_t, f)


def _sc_gather(tables_flat, idx2d):
    R, L = idx2d.shape
    D = tables_flat.shape[1]
    info = plsc.get_sparse_core_info()
    nc, ns = info.num_cores, info.num_subcores
    nw = nc * ns
    assert R % nw == 0, (R, nw)
    rows_per_w = R // nw
    assert rows_per_w % 8 == 0, rows_per_w
    k = next(x for x in (16, 8) if rows_per_w % x == 0)
    n_chunks = rows_per_w // k

    def body(tbl, idx, out, idx_v, rows_v, sem):
        wid = lax.axis_index("s") * nc + lax.axis_index("c")
        base = wid * rows_per_w

        def chunk(c, carry):
            r0 = base + c * k
            pltpu.sync_copy(idx.at[pl.ds(r0, k)], idx_v)
            handles = [
                pltpu.async_copy(tbl.at[idx_v.at[i]], rows_v.at[i], sem)
                for i in range(k)
            ]
            for h in handles:
                h.wait()
            pltpu.sync_copy(rows_v, out.at[pl.ds(r0, k)])
            return carry

        lax.fori_loop(0, n_chunks, chunk, 0)

    f = pl.kernel(
        body,
        mesh=plsc.VectorSubcoreMesh(core_axis_name="c", subcore_axis_name="s"),
        compiler_params=pltpu.CompilerParams(use_tc_tiling_on_sc=False),
        out_type=jax.ShapeDtypeStruct((R, L, D), tables_flat.dtype),
        scratch_types=[
            pltpu.VMEM((k, L), jnp.int32),
            pltpu.VMEM((k, L, D), tables_flat.dtype),
            pltpu.SemaphoreType.DMA,
        ],
    )
    return f(tables_flat, idx2d)


def _tc_body(x_ref, v0_ref, v1_ref, mn_ref, m0_ref, m1_ref, c_ref, o_ref):
    o_ref[...] = (
        jnp.dot(x_ref[...], mn_ref[...], preferred_element_type=jnp.float32)
        + jnp.dot(v0_ref[...], m0_ref[...], preferred_element_type=jnp.float32)
        + jnp.dot(v1_ref[...], m1_ref[...], preferred_element_type=jnp.float32)
        + c_ref[...][None, :]
    )


def _tc_fuse(x_num, val0, val1, m_num, m0, m1, c_row, block_b=1024):
    bsz = x_num.shape[0]
    n_num = x_num.shape[1]
    w0 = val0.shape[1]
    w1 = val1.shape[1]
    wo = c_row.shape[0]
    assert bsz % block_b == 0
    return pl.pallas_call(
        _tc_body,
        grid=(bsz // block_b,),
        in_specs=[
            pl.BlockSpec((block_b, n_num), lambda i: (i, 0)),
            pl.BlockSpec((block_b, w0), lambda i: (i, 0)),
            pl.BlockSpec((block_b, w1), lambda i: (i, 0)),
            pl.BlockSpec((n_num, wo), lambda i: (0, 0)),
            pl.BlockSpec((w0, wo), lambda i: (0, 0)),
            pl.BlockSpec((w1, wo), lambda i: (0, 0)),
            pl.BlockSpec((wo,), lambda i: (0,)),
        ],
        out_specs=pl.BlockSpec((block_b, wo), lambda i: (i, 0)),
        out_shape=jax.ShapeDtypeStruct((bsz, wo), jnp.float32),
    )(x_num, val0, val1, m_num, m0, m1, c_row)


def kernel(X_num, X_cat, feature_emb, W_num, b_num, cat_tables, W_proj, b_proj, cls_token):
    bsz, n_num = X_num.shape
    n_cat = X_cat.shape[1]
    card = cat_tables.shape[1]
    d = feature_emb.shape[1]
    n_tok = 1 + n_num + n_cat
    wo = n_tok * d

    w1 = W_proj[:d]
    w2 = W_proj[d:]
    v_vec = W_num[0] @ w2
    c_num = feature_emb[:n_num] @ w1 + b_proj + b_num @ w2
    c_cat = feature_emb[n_num:] @ w1 + b_proj
    c_row = jnp.concatenate(
        [cls_token.reshape(d), c_num.reshape(-1), c_cat.reshape(-1)]
    )
    m_num = jnp.einsum("ij,k->ijk", jnp.eye(n_num, dtype=jnp.float32), v_vec)
    m_num = jnp.pad(m_num.reshape(n_num, n_num * d), ((0, 0), (d, n_cat * d)))

    vb = 8192
    sub = vb // 8
    gv = (card + vb - 1) // vb
    tables_t = jnp.transpose(cat_tables, (0, 2, 1))
    f = jnp.zeros((8, d, 128), jnp.float32)
    f = f.at[jnp.arange(8)[:, None, None], jnp.arange(d)[None, :, None],
             (16 * jnp.arange(8))[:, None, None] + jnp.arange(d)[None, None, :]
             ].set(jnp.broadcast_to(w2[None], (8, d, d)))
    f = f.astype(jnp.bfloat16)

    g_all = X_cat // vb
    s_all = (X_cat % vb) // sub
    r_all = X_cat % sub

    splits = [(0, 16), (16, n_cat)]
    vals = []
    for j0, j1 in splits:
        jn = j1 - j0
        t2 = _tc_transform(tables_t, f, j0, jn, vb=vb)
        t2_flat = t2.reshape(jn * gv * sub * 8, d)
        offs = (jnp.arange(jn, dtype=jnp.int32) * gv)[None, :]
        flat_idx = (
            (((offs + g_all[:, j0:j1]) * sub + r_all[:, j0:j1]) * 8)
            + s_all[:, j0:j1]
        ).reshape(-1)
        assert flat_idx.shape[0] % 128 == 0
        idx2d = flat_idx.reshape(-1, 128)
        rows = _sc_gather(t2_flat, idx2d)
        vals.append(rows.reshape(bsz, jn * d))

    w0 = vals[0].shape[1]
    w1c = vals[1].shape[1]
    m0 = jnp.pad(jnp.eye(w0, dtype=jnp.bfloat16),
                 ((0, 0), ((1 + n_num) * d, wo - (1 + n_num) * d - w0)))
    m1 = jnp.pad(jnp.eye(w1c, dtype=jnp.bfloat16),
                 ((0, 0), ((1 + n_num) * d + w0, 0)))

    out2d = _tc_fuse(X_num, vals[0], vals[1], m_num, m0, m1, c_row)
    return out2d.reshape(bsz, n_tok, d)

# --- scband reference (transcript-rebuilt; emitter-appended) ---
"""Pipeline reference for scband-feature-tokenizer-25013889532115 (READ-ONLY COPY).

The authoritative reference and input builder live on the scoring server;
editing this copy changes nothing except your own understanding.
"""

import jax, jax.numpy as jnp
import numpy as np

B = 16384
N_NUM = 13
N_CAT = 26
CARD = 100000
D = 16


def setup_inputs(seed: int = 0) -> dict:
    key = jax.random.key(seed)
    ks = jax.random.split(key, 10)
    X_num = jax.random.normal(ks[0], (B, N_NUM), dtype=jnp.float32)
    X_cat = jax.random.randint(ks[1], (B, N_CAT), 0, CARD, dtype=jnp.int32)
    feature_emb = 0.02 * jax.random.normal(ks[2], (N_NUM + N_CAT, D), dtype=jnp.float32)
    W_num = 0.02 * jax.random.normal(ks[3], (1, D), dtype=jnp.float32)
    b_num = jnp.zeros((D,), dtype=jnp.float32)
    cat_tables = 0.02 * jax.random.normal(ks[4], (N_CAT, CARD, D), dtype=jnp.float32)
    W_proj = 0.02 * jax.random.normal(ks[5], (2 * D, D), dtype=jnp.float32)
    b_proj = jnp.zeros((D,), dtype=jnp.float32)
    cls_token = jax.random.normal(ks[6], (1, 1, D), dtype=jnp.float32)
    return {
        'X_num': X_num,
        'X_cat': X_cat,
        'feature_emb': feature_emb,
        'W_num': W_num,
        'b_num': b_num,
        'cat_tables': cat_tables,
        'W_proj': W_proj,
        'b_proj': b_proj,
        'cls_token': cls_token,
    }


def reference(X_num, X_cat, feature_emb, W_num, b_num, cat_tables, W_proj, b_proj, cls_token):
    Bsz = X_num.shape[0]
    # numeric feature tokens: token_i = proj(concat(name_emb_i, Linear(1->D)(x_i)))
    col_num = jnp.broadcast_to(feature_emb[:N_NUM][None, :, :], (Bsz, N_NUM, D))
    val_num = X_num[..., None] * W_num[0][None, None, :] + b_num[None, None, :]
    fused_num = jnp.concatenate([col_num, val_num], axis=-1) @ W_proj + b_proj
    # categorical feature tokens: token_j = proj(concat(name_emb_{n_num+j}, Emb_j(x_j)))
    col_cat = jnp.broadcast_to(feature_emb[N_NUM:][None, :, :], (Bsz, N_CAT, D))
    val_cat = jnp.stack([jnp.take(cat_tables[j], X_cat[:, j], axis=0) for j in range(N_CAT)], axis=1)
    fused_cat = jnp.concatenate([col_cat, val_cat], axis=-1) @ W_proj + b_proj
    tokens = jnp.concatenate([fused_num, fused_cat], axis=1)
    cls = jnp.broadcast_to(cls_token, (Bsz, 1, D))
    return jnp.concatenate([cls, tokens], axis=1)

if __name__ == "__main__":
    import jax
    _d = setup_inputs()
    print(jax.jit(kernel)(*tuple(_d.values())))

</pallas_src>

<mosaic_0001>
#map = affine_map<(d0, d1) -> (0, 0)>
#map1 = affine_map<(d0, d1) -> (0, 0, 0)>
module attributes {stable_mosaic.version = 14 : i64} {
  func.func @body(%arg0: i32, %arg1: i32, %arg2: memref<1703936x16xbf16, #tpu.memory_space<hbm>>, %arg3: memref<2048x128xi32, #tpu.memory_space<hbm>>, %arg4: memref<2048x128x16xbf16, #tpu.memory_space<hbm>>, %arg5: memref<16x128xi32, #tpu.memory_space<vmem>>, %arg6: memref<16x128x16xbf16, #tpu.memory_space<vmem>>, %arg7: memref<!tpu.dma_semaphore, #tpu.memory_space<semaphore_mem>>) attributes {dimension_semantics = [#tpu.dimension_semantics<core_parallel>, #tpu.dimension_semantics<subcore_parallel>], iteration_bounds = array<i64: 2, 16>, scalar_prefetch = 0 : i64, scratch_operands = 3 : i64, tpu.core_type = #tpu.core_type<sc_vector_subcore>, window_params = [{transform_indices = #map}, {transform_indices = #map}, {transform_indices = #map1}]} {
    %mul3A = arith.constant 2 : i32
    %mul3A_0 = arith.muli %arg1, %mul3A : i32
    %add3A = arith.addi %mul3A_0, %arg0 : i32
    %mul3A_1 = arith.constant 64 : i32
    %mul3A_2 = arith.muli %add3A, %mul3A_1 : i32
    %scan3A = arith.constant 0 : i32
    %scan3A_3 = arith.constant 0 : i32
    %scan3A_4 = arith.constant 4 : i32
    %scan3A_5 = arith.addi %scan3A_3, %scan3A_4 : i32
    %scan3A_6 = arith.constant 1 : i32
    scf.for %scan3A_8 = %scan3A_3 to %scan3A_5 step %scan3A_6  : i32 {
      %mul3A_9 = arith.constant 16 : i32
      %mul3A_10 = arith.muli %scan3A_8, %mul3A_9 : i32
      %add3A_11 = arith.addi %mul3A_2, %mul3A_10 : i32
      "tpu.region"() ({
        %run_scoped3A = tpu.sem_alloc : memref<!tpu.dma_semaphore, #tpu.memory_space<semaphore_mem>>
        %dma_start3A_394 = arith.constant 0 : i32
        %dma_start3A_395 = tpu.memref_slice %arg3[%add3A_11, %dma_start3A_394] : memref<2048x128xi32, #tpu.memory_space<hbm>> -> memref<16x128xi32, #tpu.memory_space<hbm>>
        %dma_start3A_396 = arith.constant 0 : i32
        %dma_start3A_397 = tpu.memref_slice %arg3[%add3A_11, %dma_start3A_396] : memref<2048x128xi32, #tpu.memory_space<hbm>> -> memref<16x128xi32, #tpu.memory_space<hbm>>
        tpu.enqueue_dma source(%dma_start3A_397 : memref<16x128xi32, #tpu.memory_space<hbm>>) target(%arg5 : memref<16x128xi32, #tpu.memory_space<vmem>>) target_semaphore(%run_scoped3A : memref<!tpu.dma_semaphore, #tpu.memory_space<semaphore_mem>>)
        %dma_wait3A_398 = arith.constant 0 : i32
        %dma_wait3A_399 = tpu.memref_slice %arg3[%add3A_11, %dma_wait3A_398] : memref<2048x128xi32, #tpu.memory_space<hbm>> -> memref<16x128xi32, #tpu.memory_space<hbm>>
        %dma_wait3A_400 = arith.constant 0 : i32
        %dma_wait3A_401 = tpu.memref_slice %arg3[%add3A_11, %dma_wait3A_400] : memref<2048x128xi32, #tpu.memory_space<hbm>> -> memref<16x128xi32, #tpu.memory_space<hbm>>
        tpu.wait_dma2 semaphore(%run_scoped3A : memref<!tpu.dma_semaphore, #tpu.memory_space<semaphore_mem>>) src(%dma_wait3A_401 : memref<16x128xi32, #tpu.memory_space<hbm>>) dst(%arg5 : memref<16x128xi32, #tpu.memory_space<vmem>>)
        tpu.yield
      }) : () -> ()
      %dma_start3A = arith.constant 0 : i32
      %dma_start3A_12 = arith.constant 0 : i32
      %dma_start3A_13 = arith.constant 0 : i32
      %dma_start3A_14 = arith.constant 0 : i32
      %dma_start3A_15 = tpu.memref_slice %arg6[%dma_start3A_12, %dma_start3A_13, %dma_start3A_14] : memref<16x128x16xbf16, #tpu.memory_space<vmem>> -> memref<1x128x16xbf16, #tpu.memory_space<vmem>>
      %dma_start3A_16 = tpu.memref_squeeze %dma_start3A_15 : memref<1x128x16xbf16, #tpu.memory_space<vmem>> -> memref<128x16xbf16, #tpu.memory_space<vmem>>
      %dma_start3A_17 = arith.constant 0 : i32
      %dma_start3A_18 = tpu.memref_slice %arg5[%dma_start3A, %dma_start3A_17] : memref<16x128xi32, #tpu.memory_space<vmem>> -> memref<1x128xi32, #tpu.memory_space<vmem>>
      %dma_start3A_19 = tpu.memref_squeeze %dma_start3A_18 : memref<1x128xi32, #tpu.memory_space<vmem>> -> memref<128xi32, #tpu.memory_space<vmem>>
      %dma_start3A_20 = arith.constant 0 : i32
      %dma_start3A_21 = arith.constant 0 : i32
      %dma_start3A_22 = tpu.memref_slice %arg2[%dma_start3A_20, %dma_start3A_21] : memref<1703936x16xbf16, #tpu.memory_space<hbm>> -> memref<1703936x16xbf16, #tpu.memory_space<hbm>>
      tpu.enqueue_indirect_dma source(%dma_start3A_22 : memref<1703936x16xbf16, #tpu.memory_space<hbm>>) target(%dma_start3A_16 : memref<128x16xbf16, #tpu.memory_space<vmem>>) offsets(%dma_start3A_19 : memref<128xi32, #tpu.memory_space<vmem>>) semaphore(%arg7 : memref<!tpu.dma_semaphore, #tpu.memory_space<semaphore_mem>>)
      %dma_start3A_23 = arith.constant 1 : i32
      %dma_start3A_24 = arith.constant 1 : i32
      %dma_start3A_25 = arith.constant 0 : i32
      %dma_start3A_26 = arith.constant 0 : i32
      %dma_start3A_27 = tpu.memref_slice %arg6[%dma_start3A_24, %dma_start3A_25, %dma_start3A_26] : memref<16x128x16xbf16, #tpu.memory_space<vmem>> -> memref<1x128x16xbf16, #tpu.memory_space<vmem>>
      %dma_start3A_28 = tpu.memref_squeeze %dma_start3A_27 : memref<1x128x16xbf16, #tpu.memory_space<vmem>> -> memref<128x16xbf16, #tpu.memory_space<vmem>>
      %dma_start3A_29 = arith.constant 0 : i32
      %dma_start3A_30 = tpu.memref_slice %arg5[%dma_start3A_23, %dma_start3A_29] : memref<16x128xi32, #tpu.memory_space<vmem>> -> memref<1x128xi32, #tpu.memory_space<vmem>>
      %dma_start3A_31 = tpu.memref_squeeze %dma_start3A_30 : memref<1x128xi32, #tpu.memory_space<vmem>> -> memref<128xi32, #tpu.memory_space<vmem>>
      %dma_start3A_32 = arith.constant 0 : i32
      %dma_start3A_33 = arith.constant 0 : i32
      %dma_start3A_34 = tpu.memref_slice %arg2[%dma_start3A_32, %dma_start3A_33] : memref<1703936x16xbf16, #tpu.memory_space<hbm>> -> memref<1703936x16xbf16, #tpu.memory_space<hbm>>
      tpu.enqueue_indirect_dma source(%dma_start3A_34 : memref<1703936x16xbf16, #tpu.memory_space<hbm>>) target(%dma_start3A_28 : memref<128x16xbf16, #tpu.memory_space<vmem>>) offsets(%dma_start3A_31 : memref<128xi32, #tpu.memory_space<vmem>>) semaphore(%arg7 : memref<!tpu.dma_semaphore, #tpu.memory_space<semaphore_mem>>)
      %dma_start3A_35 = arith.constant 2 : i32
      %dma_start3A_36 = arith.constant 2 : i32
      %dma_start3A_37 = arith.constant 0 : i32
      %dma_start3A_38 = arith.constant 0 : i32
      %dma_start3A_39 = tpu.memref_slice %arg6[%dma_start3A_36, %dma_start3A_37, %dma_start3A_38] : memref<16x128x16xbf16, #tpu.memory_space<vmem>> -> memref<1x128x16xbf16, #tpu.memory_space<vmem>>
      %dma_start3A_40 = tpu.memref_squeeze %dma_start3A_39 : memref<1x128x16xbf16, #tpu.memory_space<vmem>> -> memref<128x16xbf16, #tpu.memory_space<vmem>>
      %dma_start3A_41 = arith.constant 0 : i32
      %dma_start3A_42 = tpu.memref_slice %arg5[%dma_start3A_35, %dma_start3A_41] : memref<16x128xi32, #tpu.memory_space<vmem>> -> memref<1x128xi32, #tpu.memory_space<vmem>>
      %dma_start3A_43 = tpu.memref_squeeze %dma_start3A_42 : memref<1x128xi32, #tpu.memory_space<vmem>> -> memref<128xi32, #tpu.memory_space<vmem>>
      %dma_start3A_44 = arith.constant 0 : i32
      %dma_start3A_45 = arith.constant 0 : i32
      %dma_start3A_46 = tpu.memref_slice %arg2[%dma_start3A_44, %dma_start3A_45] : memref<1703936x16xbf16, #tpu.memory_space<hbm>> -> memref<1703936x16xbf16, #tpu.memory_space<hbm>>
      tpu.enqueue_indirect_dma source(%dma_start3A_46 : memref<1703936x16xbf16, #tpu.memory_space<hbm>>) target(%dma_start3A_40 : memref<128x16xbf16, #tpu.memory_space<vmem>>) offsets(%dma_start3A_43 : memref<128xi32, #tpu.memory_space<vmem>>) semaphore(%arg7 : memref<!tpu.dma_semaphore, #tpu.memory_space<semaphore_mem>>)
      %dma_start3A_47 = arith.constant 3 : i32
      %dma_start3A_48 = arith.constant 3 : i32
      %dma_start3A_49 = arith.constant 0 : i32
      %dma_start3A_50 = arith.constant 0 : i32
      %dma_start3A_51 = tpu.memref_slice %arg6[%dma_start3A_48, %dma_start3A_49, %dma_start3A_50] : memref<16x128x16xbf16, #tpu.memory_space<vmem>> -> memref<1x128x16xbf16, #tpu.memory_space<vmem>>
      %dma_start3A_52 = tpu.memref_squeeze %dma_start3A_51 : memref<1x128x16xbf16, #tpu.memory_space<vmem>> -> memref<128x16xbf16, #tpu.memory_space<vmem>>
      %dma_start3A_53 = arith.constant 0 : i32
      %dma_start3A_54 = tpu.memref_slice %arg5[%dma_start3A_47, %dma_start3A_53] : memref<16x128xi32, #tpu.memory_space<vmem>> -> memref<1x128xi32, #tpu.memory_space<vmem>>
      %dma_start3A_55 = tpu.memref_squeeze %dma_start3A_54 : memref<1x128xi32, #tpu.memory_space<vmem>> -> memref<128xi32, #tpu.memory_space<vmem>>
      %dma_start3A_56 = arith.constant 0 : i32
      %dma_start3A_57 = arith.constant 0 : i32
      %dma_start3A_58 = tpu.memref_slice %arg2[%dma_start3A_56, %dma_start3A_57] : memref<1703936x16xbf16, #tpu.memory_space<hbm>> -> memref<1703936x16xbf16, #tpu.memory_space<hbm>>
      tpu.enqueue_indirect_dma source(%dma_start3A_58 : memref<1703936x16xbf16, #tpu.memory_space<hbm>>) target(%dma_start3A_52 : memref<128x16xbf16, #tpu.memory_space<vmem>>) offsets(%dma_start3A_55 : memref<128xi32, #tpu.memory_space<vmem>>) semaphore(%arg7 : memref<!tpu.dma_semaphore, #tpu.memory_space<semaphore_mem>>)
      %dma_start3A_59 = arith.constant 4 : i32
      %dma_start3A_60 = arith.constant 4 : i32
      %dma_start3A_61 = arith.constant 0 : i32
      %dma_start3A_62 = arith.constant 0 : i32
      %dma_start3A_63 = tpu.memref_slice %arg6[%dma_start3A_60, %dma_start3A_61, %dma_start3A_62] : memref<16x128x16xbf16, #tpu.memory_space<vmem>> -> memref<1x128x16xbf16, #tpu.memory_space<vmem>>
      %dma_start3A_64 = tpu.memref_squeeze %dma_start3A_63 : memref<1x128x16xbf16, #tpu.memory_space<vmem>> -> memref<128x16xbf16, #tpu.memory_space<vmem>>
      %dma_start3A_65 = arith.constant 0 : i32
      %dma_start3A_66 = tpu.memref_slice %arg5[%dma_start3A_59, %dma_start3A_65] : memref<16x128xi32, #tpu.memory_space<vmem>> -> memref<1x128xi32, #tpu.memory_space<vmem>>
      %dma_start3A_67 = tpu.memref_squeeze %dma_start3A_66 : memref<1x128xi32, #tpu.memory_space<vmem>> -> memref<128xi32, #tpu.memory_space<vmem>>
      %dma_start3A_68 = arith.constant 0 : i32
      %dma_start3A_69 = arith.constant 0 : i32
      %dma_start3A_70 = tpu.memref_slice %arg2[%dma_start3A_68, %dma_start3A_69] : memref<1703936x16xbf16, #tpu.memory_space<hbm>> -> memref<1703936x16xbf16, #tpu.memory_space<hbm>>
      tpu.enqueue_indirect_dma source(%dma_start3A_70 : memref<1703936x16xbf16, #tpu.memory_space<hbm>>) target(%dma_start3A_64 : memref<128x16xbf16, #tpu.memory_space<vmem>>) offsets(%dma_start3A_67 : memref<128xi32, #tpu.memory_space<vmem>>) semaphore(%arg7 : memref<!tpu.dma_semaphore, #tpu.memory_space<semaphore_mem>>)
      %dma_start3A_71 = arith.constant 5 : i32
      %dma_start3A_72 = arith.constant 5 : i32
      %dma_start3A_73 = arith.constant 0 : i32
      %dma_start3A_74 = arith.constant 0 : i32
      %dma_start3A_75 = tpu.memref_slice %arg6[%dma_start3A_72, %dma_start3A_73, %dma_start3A_74] : memref<16x128x16xbf16, #tpu.memory_space<vmem>> -> memref<1x128x16xbf16, #tpu.memory_space<vmem>>
      %dma_start3A_76 = tpu.memref_squeeze %dma_start3A_75 : memref<1x128x16xbf16, #tpu.memory_space<vmem>> -> memref<128x16xbf16, #tpu.memory_space<vmem>>
      %dma_start3A_77 = arith.constant 0 : i32
      %dma_start3A_78 = tpu.memref_slice %arg5[%dma_start3A_71, %dma_start3A_77] : memref<16x128xi32, #tpu.memory_space<vmem>> -> memref<1x128xi32, #tpu.memory_space<vmem>>
      %dma_start3A_79 = tpu.memref_squeeze %dma_start3A_78 : memref<1x128xi32, #tpu.memory_space<vmem>> -> memref<128xi32, #tpu.memory_space<vmem>>
      %dma_start3A_80 = arith.constant 0 : i32
      %dma_start3A_81 = arith.constant 0 : i32
      %dma_start3A_82 = tpu.memref_slice %arg2[%dma_start3A_80, %dma_start3A_81] : memref<1703936x16xbf16, #tpu.memory_space<hbm>> -> memref<1703936x16xbf16, #tpu.memory_space<hbm>>
      tpu.enqueue_indirect_dma source(%dma_start3A_82 : memref<1703936x16xbf16, #tpu.memory_space<hbm>>) target(%dma_start3A_76 : memref<128x16xbf16, #tpu.memory_space<vmem>>) offsets(%dma_start3A_79 : memref<128xi32, #tpu.memory_space<vmem>>) semaphore(%arg7 : memref<!tpu.dma_semaphore, #tpu.memory_space<semaphore_mem>>)
      %dma_start3A_83 = arith.constant 6 : i32
      %dma_start3A_84 = arith.constant 6 : i32
      %dma_start3A_85 = arith.constant 0 : i32
      %dma_start3A_86 = arith.constant 0 : i32
      %dma_start3A_87 = tpu.memref_slice %arg6[%dma_start3A_84, %dma_start3A_85, %dma_start3A_86] : memref<16x128x16xbf16, #tpu.memory_space<vmem>> -> memref<1x128x16xbf16, #tpu.memory_space<vmem>>
      %dma_start3A_88 = tpu.memref_squeeze %dma_start3A_87 : memref<1x128x16xbf16, #tpu.memory_space<vmem>> -> memref<128x16xbf16, #tpu.memory_space<vmem>>
      %dma_start3A_89 = arith.constant 0 : i32
      %dma_start3A_90 = tpu.memref_slice %arg5[%dma_start3A_83, %dma_start3A_89] : memref<16x128xi32, #tpu.memory_space<vmem>> -> memref<1x128xi32, #tpu.memory_space<vmem>>
      %dma_start3A_91 = tpu.memref_squeeze %dma_start3A_90 : memref<1x128xi32, #tpu.memory_space<vmem>> -> memref<128xi32, #tpu.memory_space<vmem>>
      %dma_start3A_92 = arith.constant 0 : i32
      %dma_start3A_93 = arith.constant 0 : i32
      %dma_start3A_94 = tpu.memref_slice %arg2[%dma_start3A_92, %dma_start3A_93] : memref<1703936x16xbf16, #tpu.memory_space<hbm>> -> memref<1703936x16xbf16, #tpu.memory_space<hbm>>
      tpu.enqueue_indirect_dma source(%dma_start3A_94 : memref<1703936x16xbf16, #tpu.memory_space<hbm>>) target(%dma_start3A_88 : memref<128x16xbf16, #tpu.memory_space<vmem>>) offsets(%dma_start3A_91 : memref<128xi32, #tpu.memory_space<vmem>>) semaphore(%arg7 : memref<!tpu.dma_semaphore, #tpu.memory_space<semaphore_mem>>)
      %dma_start3A_95 = arith.constant 7 : i32
      %dma_start3A_96 = arith.constant 7 : i32
      %dma_start3A_97 = arith.constant 0 : i32
      %dma_start3A_98 = arith.constant 0 : i32
      %dma_start3A_99 = tpu.memref_slice %arg6[%dma_start3A_96, %dma_start3A_97, %dma_start3A_98] : memref<16x128x16xbf16, #tpu.memory_space<vmem>> -> memref<1x128x16xbf16, #tpu.memory_space<vmem>>
      %dma_start3A_100 = tpu.memref_squeeze %dma_start3A_99 : memref<1x128x16xbf16, #tpu.memory_space<vmem>> -> memref<128x16xbf16, #tpu.memory_space<vmem>>
      %dma_start3A_101 = arith.constant 0 : i32
      %dma_start3A_102 = tpu.memref_slice %arg5[%dma_start3A_95, %dma_start3A_101] : memref<16x128xi32, #tpu.memory_space<vmem>> -> memref<1x128xi32, #tpu.memory_space<vmem>>
      %dma_start3A_103 = tpu.memref_squeeze %dma_start3A_102 : memref<1x128xi32, #tpu.memory_space<vmem>> -> memref<128xi32, #tpu.memory_space<vmem>>
      %dma_start3A_104 = arith.constant 0 : i32
      %dma_start3A_105 = arith.constant 0 : i32
      %dma_start3A_106 = tpu.memref_slice %arg2[%dma_start3A_104, %dma_start3A_105] : memref<1703936x16xbf16, #tpu.memory_space<hbm>> -> memref<1703936x16xbf16, #tpu.memory_space<hbm>>
      tpu.enqueue_indirect_dma source(%dma_start3A_106 : memref<1703936x16xbf16, #tpu.memory_space<hbm>>) target(%dma_start3A_100 : memref<128x16xbf16, #tpu.memory_space<vmem>>) offsets(%dma_start3A_103 : memref<128xi32, #tpu.memory_space<vmem>>) semaphore(%arg7 : memref<!tpu.dma_semaphore, #tpu.memory_space<semaphore_mem>>)
      %dma_start3A_107 = arith.constant 8 : i32
      %dma_start3A_108 = arith.constant 8 : i32
      %dma_start3A_109 = arith.constant 0 : i32
      %dma_start3A_110 = arith.constant 0 : i32
      %dma_start3A_111 = tpu.memref_slice %arg6[%dma_start3A_108, %dma_start3A_109, %dma_start3A_110] : memref<16x128x16xbf16, #tpu.memory_space<vmem>> -> memref<1x128x16xbf16, #tpu.memory_space<vmem>>
      %dma_start3A_112 = tpu.memref_squeeze %dma_start3A_111 : memref<1x128x16xbf16, #tpu.memory_space<vmem>> -> memref<128x16xbf16, #tpu.memory_space<vmem>>
      %dma_start3A_113 = arith.constant 0 : i32
      %dma_start3A_114 = tpu.memref_slice %arg5[%dma_start3A_107, %dma_start3A_113] : memref<16x128xi32, #tpu.memory_space<vmem>> -> memref<1x128xi32, #tpu.memory_space<vmem>>
      %dma_start3A_115 = tpu.memref_squeeze %dma_start3A_114 : memref<1x128xi32, #tpu.memory_space<vmem>> -> memref<128xi32, #tpu.memory_space<vmem>>
      %dma_start3A_116 = arith.constant 0 : i32
      %dma_start3A_117 = arith.constant 0 : i32
      %dma_start3A_118 = tpu.memref_slice %arg2[%dma_start3A_116, %dma_start3A_117] : memref<1703936x16xbf16, #tpu.memory_space<hbm>> -> memref<1703936x16xbf16, #tpu.memory_space<hbm>>
      tpu.enqueue_indirect_dma source(%dma_start3A_118 : memref<1703936x16xbf16, #tpu.memory_space<hbm>>) target(%dma_start3A_112 : memref<128x16xbf16, #tpu.memory_space<vmem>>) offsets(%dma_start3A_115 : memref<128xi32, #tpu.memory_space<vmem>>) semaphore(%arg7 : memref<!tpu.dma_semaphore, #tpu.memory_space<semaphore_mem>>)
      %dma_start3A_119 = arith.constant 9 : i32
      %dma_start3A_120 = arith.constant 9 : i32
      %dma_start3A_121 = arith.constant 0 : i32
      %dma_start3A_122 = arith.constant 0 : i32
      %dma_start3A_123 = tpu.memref_slice %arg6[%dma_start3A_120, %dma_start3A_121, %dma_start3A_122] : memref<16x128x16xbf16, #tpu.memory_space<vmem>> -> memref<1x128x16xbf16, #tpu.memory_space<vmem>>
      %dma_start3A_124 = tpu.memref_squeeze %dma_start3A_123 : memref<1x128x16xbf16, #tpu.memory_space<vmem>> -> memref<128x16xbf16, #tpu.memory_space<vmem>>
      %dma_start3A_125 = arith.constant 0 : i32
      %dma_start3A_126 = tpu.memref_slice %arg5[%dma_start3A_119, %dma_start3A_125] : memref<16x128xi32, #tpu.memory_space<vmem>> -> memref<1x128xi32, #tpu.memory_space<vmem>>
      %dma_start3A_127 = tpu.memref_squeeze %dma_start3A_126 : memref<1x128xi32, #tpu.memory_space<vmem>> -> memref<128xi32, #tpu.memory_space<vmem>>
      %dma_start3A_128 = arith.constant 0 : i32
      %dma_start3A_129 = arith.constant 0 : i32
      %dma_start3A_130 = tpu.memref_slice %arg2[%dma_start3A_128, %dma_start3A_129] : memref<1703936x16xbf16, #tpu.memory_space<hbm>> -> memref<1703936x16xbf16, #tpu.memory_space<hbm>>
      tpu.enqueue_indirect_dma source(%dma_start3A_130 : memref<1703936x16xbf16, #tpu.memory_space<hbm>>) target(%dma_start3A_124 : memref<128x16xbf16, #tpu.memory_space<vmem>>) offsets(%dma_start3A_127 : memref<128xi32, #tpu.memory_space<vmem>>) semaphore(%arg7 : memref<!tpu.dma_semaphore, #tpu.memory_space<semaphore_mem>>)
      %dma_start3A_131 = arith.constant 10 : i32
      %dma_start3A_132 = arith.constant 10 : i32
      %dma_start3A_133 = arith.constant 0 : i32
      %dma_start3A_134 = arith.constant 0 : i32
      %dma_start3A_135 = tpu.memref_slice %arg6[%dma_start3A_132, %dma_start3A_133, %dma_start3A_134] : memref<16x128x16xbf16, #tpu.memory_space<vmem>> -> memref<1x128x16xbf16, #tpu.memory_space<vmem>>
      %dma_start3A_136 = tpu.memref_squeeze %dma_start3A_135 : memref<1x128x16xbf16, #tpu.memory_space<vmem>> -> memref<128x16xbf16, #tpu.memory_space<vmem>>
      %dma_start3A_137 = arith.constant 0 : i32
      %dma_start3A_138 = tpu.memref_slice %arg5[%dma_start3A_131, %dma_start3A_137] : memref<16x128xi32, #tpu.memory_space<vmem>> -> memref<1x128xi32, #tpu.memory_space<vmem>>
      %dma_start3A_139 = tpu.memref_squeeze %dma_start3A_138 : memref<1x128xi32, #tpu.memory_space<vmem>> -> memref<128xi32, #tpu.memory_space<vmem>>
      %dma_start3A_140 = arith.constant 0 : i32
      %dma_start3A_141 = arith.constant 0 : i32
      %dma_start3A_142 = tpu.memref_slice %arg2[%dma_start3A_140, %dma_start3A_141] : memref<1703936x16xbf16, #tpu.memory_space<hbm>> -> memref<1703936x16xbf16, #tpu.memory_space<hbm>>
      tpu.enqueue_indirect_dma source(%dma_start3A_142 : memref<1703936x16xbf16, #tpu.memory_space<hbm>>) target(%dma_start3A_136 : memref<128x16xbf16, #tpu.memory_space<vmem>>) offsets(%dma_start3A_139 : memref<128xi32, #tpu.memory_space<vmem>>) semaphore(%arg7 : memref<!tpu.dma_semaphore, #tpu.memory_space<semaphore_mem>>)
      %dma_start3A_143 = arith.constant 11 : i32
      %dma_start3A_144 = arith.constant 11 : i32
      %dma_start3A_145 = arith.constant 0 : i32
      %dma_start3A_146 = arith.constant 0 : i32
      %dma_start3A_147 = tpu.memref_slice %arg6[%dma_start3A_144, %dma_start3A_145, %dma_start3A_146] : memref<16x128x16xbf16, #tpu.memory_space<vmem>> -> memref<1x128x16xbf16, #tpu.memory_space<vmem>>
      %dma_start3A_148 = tpu.memref_squeeze %dma_start3A_147 : memref<1x128x16xbf16, #tpu.memory_space<vmem>> -> memref<128x16xbf16, #tpu.memory_space<vmem>>
      %dma_start3A_149 = arith.constant 0 : i32
      %dma_start3A_150 = tpu.memref_slice %arg5[%dma_start3A_143, %dma_start3A_149] : memref<16x128xi32, #tpu.memory_space<vmem>> -> memref<1x128xi32, #tpu.memory_space<vmem>>
      %dma_start3A_151 = tpu.memref_squeeze %dma_start3A_150 : memref<1x128xi32, #tpu.memory_space<vmem>> -> memref<128xi32, #tpu.memory_space<vmem>>
      %dma_start3A_152 = arith.constant 0 : i32
      %dma_start3A_153 = arith.constant 0 : i32
      %dma_start3A_154 = tpu.memref_slice %arg2[%dma_start3A_152, %dma_start3A_153] : memref<1703936x16xbf16, #tpu.memory_space<hbm>> -> memref<1703936x16xbf16, #tpu.memory_space<hbm>>
      tpu.enqueue_indirect_dma source(%dma_start3A_154 : memref<1703936x16xbf16, #tpu.memory_space<hbm>>) target(%dma_start3A_148 : memref<128x16xbf16, #tpu.memory_space<vmem>>) offsets(%dma_start3A_151 : memref<128xi32, #tpu.memory_space<vmem>>) semaphore(%arg7 : memref<!tpu.dma_semaphore, #tpu.memory_space<semaphore_mem>>)
      %dma_start3A_155 = arith.constant 12 : i32
      %dma_start3A_156 = arith.constant 12 : i32
      %dma_start3A_157 = arith.constant 0 : i32
      %dma_start3A_158 = arith.constant 0 : i32
      %dma_start3A_159 = tpu.memref_slice %arg6[%dma_start3A_156, %dma_start3A_157, %dma_start3A_158] : memref<16x128x16xbf16, #tpu.memory_space<vmem>> -> memref<1x128x16xbf16, #tpu.memory_space<vmem>>
      %dma_start3A_160 = tpu.memref_squeeze %dma_start3A_159 : memref<1x128x16xbf16, #tpu.memory_space<vmem>> -> memref<128x16xbf16, #tpu.memory_space<vmem>>
      %dma_start3A_161 = arith.constant 0 : i32
      %dma_start3A_162 = tpu.memref_slice %arg5[%dma_start3A_155, %dma_start3A_161] : memref<16x128xi32, #tpu.memory_space<vmem>> -> memref<1x128xi32, #tpu.memory_space<vmem>>
      %dma_start3A_163 = tpu.memref_squeeze %dma_start3A_162 : memref<1x128xi32, #tpu.memory_space<vmem>> -> memref<128xi32, #tpu.memory_space<vmem>>
      %dma_start3A_164 = arith.constant 0 : i32
      %dma_start3A_165 = arith.constant 0 : i32
      %dma_start3A_166 = tpu.memref_slice %arg2[%dma_start3A_164, %dma_start3A_165] : memref<1703936x16xbf16, #tpu.memory_space<hbm>> -> memref<1703936x16xbf16, #tpu.memory_space<hbm>>
      tpu.enqueue_indirect_dma source(%dma_start3A_166 : memref<1703936x16xbf16, #tpu.memory_space<hbm>>) target(%dma_start3A_160 : memref<128x16xbf16, #tpu.memory_space<vmem>>) offsets(%dma_start3A_163 : memref<128xi32, #tpu.memory_space<vmem>>) semaphore(%arg7 : memref<!tpu.dma_semaphore, #tpu.memory_space<semaphore_mem>>)
      %dma_start3A_167 = arith.constant 13 : i32
      %dma_start3A_168 = arith.constant 13 : i32
      %dma_start3A_169 = arith.constant 0 : i32
      %dma_start3A_170 = arith.constant 0 : i32
      %dma_start3A_171 = tpu.memref_slice %arg6[%dma_start3A_168, %dma_start3A_169, %dma_start3A_170] : memref<16x128x16xbf16, #tpu.memory_space<vmem>> -> memref<1x128x16xbf16, #tpu.memory_space<vmem>>
      %dma_start3A_172 = tpu.memref_squeeze %dma_start3A_171 : memref<1x128x16xbf16, #tpu.memory_space<vmem>> -> memref<128x16xbf16, #tpu.memory_space<vmem>>
      %dma_start3A_173 = arith.constant 0 : i32
      %dma_start3A_174 = tpu.memref_slice %arg5[%dma_start3A_167, %dma_start3A_173] : memref<16x128xi32, #tpu.memory_space<vmem>> -> memref<1x128xi32, #tpu.memory_space<vmem>>
      %dma_start3A_175 = tpu.memref_squeeze %dma_start3A_174 : memref<1x128xi32, #tpu.memory_space<vmem>> -> memref<128xi32, #tpu.memory_space<vmem>>
      %dma_start3A_176 = arith.constant 0 : i32
      %dma_start3A_177 = arith.constant 0 : i32
      %dma_start3A_178 = tpu.memref_slice %arg2[%dma_start3A_176, %dma_start3A_177] : memref<1703936x16xbf16, #tpu.memory_space<hbm>> -> memref<1703936x16xbf16, #tpu.memory_space<hbm>>
      tpu.enqueue_indirect_dma source(%dma_start3A_178 : memref<1703936x16xbf16, #tpu.memory_space<hbm>>) target(%dma_start3A_172 : memref<128x16xbf16, #tpu.memory_space<vmem>>) offsets(%dma_start3A_175 : memref<128xi32, #tpu.memory_space<vmem>>) semaphore(%arg7 : memref<!tpu.dma_semaphore, #tpu.memory_space<semaphore_mem>>)
      %dma_start3A_179 = arith.constant 14 : i32
      %dma_start3A_180 = arith.constant 14 : i32
      %dma_start3A_181 = arith.constant 0 : i32
      %dma_start3A_182 = arith.constant 0 : i32
      %dma_start3A_183 = tpu.memref_slice %arg6[%dma_start3A_180, %dma_start3A_181, %dma_start3A_182] : memref<16x128x16xbf16, #tpu.memory_space<vmem>> -> memref<1x128x16xbf16, #tpu.memory_space<vmem>>
      %dma_start3A_184 = tpu.memref_squeeze %dma_start3A_183 : memref<1x128x16xbf16, #tpu.memory_space<vmem>> -> memref<128x16xbf16, #tpu.memory_space<vmem>>
      %dma_start3A_185 = arith.constant 0 : i32
      %dma_start3A_186 = tpu.memref_slice %arg5[%dma_start3A_179, %dma_start3A_185] : memref<16x128xi32, #tpu.memory_space<vmem>> -> memref<1x128xi32, #tpu.memory_space<vmem>>
      %dma_start3A_187 = tpu.memref_squeeze %dma_start3A_186 : memref<1x128xi32, #tpu.memory_space<vmem>> -> memref<128xi32, #tpu.memory_space<vmem>>
      %dma_start3A_188 = arith.constant 0 : i32
      %dma_start3A_189 = arith.constant 0 : i32
      %dma_start3A_190 = tpu.memref_slice %arg2[%dma_start3A_188, %dma_start3A_189] : memref<1703936x16xbf16, #tpu.memory_space<hbm>> -> memref<1703936x16xbf16, #tpu.memory_space<hbm>>
      tpu.enqueue_indirect_dma source(%dma_start3A_190 : memref<1703936x16xbf16, #tpu.memory_space<hbm>>) target(%dma_start3A_184 : memref<128x16xbf16, #tpu.memory_space<vmem>>) offsets(%dma_start3A_187 : memref<128xi32, #tpu.memory_space<vmem>>) semaphore(%arg7 : memref<!tpu.dma_semaphore, #tpu.memory_space<semaphore_mem>>)
      %dma_start3A_191 = arith.constant 15 : i32
      %dma_start3A_192 = arith.constant 15 : i32
      %dma_start3A_193 = arith.constant 0 : i32
      %dma_start3A_194 = arith.constant 0 : i32
      %dma_start3A_195 = tpu.memref_slice %arg6[%dma_start3A_192, %dma_start3A_193, %dma_start3A_194] : memref<16x128x16xbf16, #tpu.memory_space<vmem>> -> memref<1x128x16xbf16, #tpu.memory_space<vmem>>
      %dma_start3A_196 = tpu.memref_squeeze %dma_start3A_195 : memref<1x128x16xbf16, #tpu.memory_space<vmem>> -> memref<128x16xbf16, #tpu.memory_space<vmem>>
      %dma_start3A_197 = arith.constant 0 : i32
      %dma_start3A_198 = tpu.memref_slice %arg5[%dma_start3A_191, %dma_start3A_197] : memref<16x128xi32, #tpu.memory_space<vmem>> -> memref<1x128xi32, #tpu.memory_space<vmem>>
      %dma_start3A_199 = tpu.memref_squeeze %dma_start3A_198 : memref<1x128xi32, #tpu.memory_space<vmem>> -> memref<128xi32, #tpu.memory_space<vmem>>
      %dma_start3A_200 = arith.constant 0 : i32
      %dma_start3A_201 = arith.constant 0 : i32
      %dma_start3A_202 = tpu.memref_slice %arg2[%dma_start3A_200, %dma_start3A_201] : memref<1703936x16xbf16, #tpu.memory_space<hbm>> -> memref<1703936x16xbf16, #tpu.memory_space<hbm>>
      tpu.enqueue_indirect_dma source(%dma_start3A_202 : memref<1703936x16xbf16, #tpu.memory_space<hbm>>) target(%dma_start3A_196 : memref<128x16xbf16, #tpu.memory_space<vmem>>) offsets(%dma_start3A_199 : memref<128xi32, #tpu.memory_space<vmem>>) semaphore(%arg7 : memref<!tpu.dma_semaphore, #tpu.memory_space<semaphore_mem>>)
      %dma_wait3A = arith.constant 0 : i32
      %dma_wait3A_203 = arith.constant 0 : i32
      %dma_wait3A_204 = arith.constant 0 : i32
      %dma_wait3A_205 = arith.constant 0 : i32
      %dma_wait3A_206 = tpu.memref_slice %arg6[%dma_wait3A_203, %dma_wait3A_204, %dma_wait3A_205] : memref<16x128x16xbf16, #tpu.memory_space<vmem>> -> memref<1x128x16xbf16, #tpu.memory_space<vmem>>
      %dma_wait3A_207 = tpu.memref_squeeze %dma_wait3A_206 : memref<1x128x16xbf16, #tpu.memory_space<vmem>> -> memref<128x16xbf16, #tpu.memory_space<vmem>>
      %dma_wait3A_208 = arith.constant 0 : i32
      %dma_wait3A_209 = tpu.memref_slice %arg5[%dma_wait3A, %dma_wait3A_208] : memref<16x128xi32, #tpu.memory_space<vmem>> -> memref<1x128xi32, #tpu.memory_space<vmem>>
      %dma_wait3A_210 = tpu.memref_squeeze %dma_wait3A_209 : memref<1x128xi32, #tpu.memory_space<vmem>> -> memref<128xi32, #tpu.memory_space<vmem>>
      %dma_wait3A_211 = arith.constant 0 : i32
      %dma_wait3A_212 = arith.constant 0 : i32
      %dma_wait3A_213 = tpu.memref_slice %arg2[%dma_wait3A_211, %dma_wait3A_212] : memref<1703936x16xbf16, #tpu.memory_space<hbm>> -> memref<1703936x16xbf16, #tpu.memory_space<hbm>>
      tpu.wait_indirect_dma semaphore(%arg7 : memref<!tpu.dma_semaphore, #tpu.memory_space<semaphore_mem>>) src(%dma_wait3A_213 : memref<1703936x16xbf16, #tpu.memory_space<hbm>>) dst(%dma_wait3A_207 : memref<128x16xbf16, #tpu.memory_space<vmem>>)
      %dma_wait3A_214 = arith.constant 1 : i32
      %dma_wait3A_215 = arith.constant 1 : i32
      %dma_wait3A_216 = arith.constant 0 : i32
      %dma_wait3A_217 = arith.constant 0 : i32
      %dma_wait3A_218 = tpu.memref_slice %arg6[%dma_wait3A_215, %dma_wait3A_216, %dma_wait3A_217] : memref<16x128x16xbf16, #tpu.memory_space<vmem>> -> memref<1x128x16xbf16, #tpu.memory_space<vmem>>
      %dma_wait3A_219 = tpu.memref_squeeze %dma_wait3A_218 : memref<1x128x16xbf16, #tpu.memory_space<vmem>> -> memref<128x16xbf16, #tpu.memory_space<vmem>>
      %dma_wait3A_220 = arith.constant 0 : i32
      %dma_wait3A_221 = tpu.memref_slice %arg5[%dma_wait3A_214, %dma_wait3A_220] : memref<16x128xi32, #tpu.memory_space<vmem>> -> memref<1x128xi32, #tpu.memory_space<vmem>>
      %dma_wait3A_222 = tpu.memref_squeeze %dma_wait3A_221 : memref<1x128xi32, #tpu.memory_space<vmem>> -> memref<128xi32, #tpu.memory_space<vmem>>
      %dma_wait3A_223 = arith.constant 0 : i32
      %dma_wait3A_224 = arith.constant 0 : i32
      %dma_wait3A_225 = tpu.memref_slice %arg2[%dma_wait3A_223, %dma_wait3A_224] : memref<1703936x16xbf16, #tpu.memory_space<hbm>> -> memref<1703936x16xbf16, #tpu.memory_space<hbm>>
      tpu.wait_indirect_dma semaphore(%arg7 : memref<!tpu.dma_semaphore, #tpu.memory_space<semaphore_mem>>) src(%dma_wait3A_225 : memref<1703936x16xbf16, #tpu.memory_space<hbm>>) dst(%dma_wait3A_219 : memref<128x16xbf16, #tpu.memory_space<vmem>>)
      %dma_wait3A_226 = arith.constant 2 : i32
      %dma_wait3A_227 = arith.constant 2 : i32
      %dma_wait3A_228 = arith.constant 0 : i32
      %dma_wait3A_229 = arith.constant 0 : i32
      %dma_wait3A_230 = tpu.memref_slice %arg6[%dma_wait3A_227, %dma_wait3A_228, %dma_wait3A_229] : memref<16x128x16xbf16, #tpu.memory_space<vmem>> -> memref<1x128x16xbf16, #tpu.memory_space<vmem>>
      %dma_wait3A_231 = tpu.memref_squeeze %dma_wait3A_230 : memref<1x128x16xbf16, #tpu.memory_space<vmem>> -> memref<128x16xbf16, #tpu.memory_space<vmem>>
      %dma_wait3A_232 = arith.constant 0 : i32
      %dma_wait3A_233 = tpu.memref_slice %arg5[%dma_wait3A_226, %dma_wait3A_232] : memref<16x128xi32, #tpu.memory_space<vmem>> -> memref<1x128xi32, #tpu.memory_space<vmem>>
      %dma_wait3A_234 = tpu.memref_squeeze %dma_wait3A_233 : memref<1x128xi32, #tpu.memory_space<vmem>> -> memref<128xi32, #tpu.memory_space<vmem>>
      %dma_wait3A_235 = arith.constant 0 : i32
      %dma_wait3A_236 = arith.constant 0 : i32
      %dma_wait3A_237 = tpu.memref_slice %arg2[%dma_wait3A_235, %dma_wait3A_236] : memref<1703936x16xbf16, #tpu.memory_space<hbm>> -> memref<1703936x16xbf16, #tpu.memory_space<hbm>>
      tpu.wait_indirect_dma semaphore(%arg7 : memref<!tpu.dma_semaphore, #tpu.memory_space<semaphore_mem>>) src(%dma_wait3A_237 : memref<1703936x16xbf16, #tpu.memory_space<hbm>>) dst(%dma_wait3A_231 : memref<128x16xbf16, #tpu.memory_space<vmem>>)
      %dma_wait3A_238 = arith.constant 3 : i32
      %dma_wait3A_239 = arith.constant 3 : i32
      %dma_wait3A_240 = arith.constant 0 : i32
      %dma_wait3A_241 = arith.constant 0 : i32
      %dma_wait3A_242 = tpu.memref_slice %arg6[%dma_wait3A_239, %dma_wait3A_240, %dma_wait3A_241] : memref<16x128x16xbf16, #tpu.memory_space<vmem>> -> memref<1x128x16xbf16, #tpu.memory_space<vmem>>
      %dma_wait3A_243 = tpu.memref_squeeze %dma_wait3A_242 : memref<1x128x16xbf16, #tpu.memory_space<vmem>> -> memref<128x16xbf16, #tpu.memory_space<vmem>>
      %dma_wait3A_244 = arith.constant 0 : i32
      %dma_wait3A_245 = tpu.memref_slice %arg5[%dma_wait3A_238, %dma_wait3A_244] : memref<16x128xi32, #tpu.memory_space<vmem>> -> memref<1x128xi32, #tpu.memory_space<vmem>>
      %dma_wait3A_246 = tpu.memref_squeeze %dma_wait3A_245 : memref<1x128xi32, #tpu.memory_space<vmem>> -> memref<128xi32, #tpu.memory_space<vmem>>
      %dma_wait3A_247 = arith.constant 0 : i32
      %dma_wait3A_248 = arith.constant 0 : i32
      %dma_wait3A_249 = tpu.memref_slice %arg2[%dma_wait3A_247, %dma_wait3A_248] : memref<1703936x16xbf16, #tpu.memory_space<hbm>> -> memref<1703936x16xbf16, #tpu.memory_space<hbm>>
      tpu.wait_indirect_dma semaphore(%arg7 : memref<!tpu.dma_semaphore, #tpu.memory_space<semaphore_mem>>) src(%dma_wait3A_249 : memref<1703936x16xbf16, #tpu.memory_space<hbm>>) dst(%dma_wait3A_243 : memref<128x16xbf16, #tpu.memory_space<vmem>>)
      %dma_wait3A_250 = arith.constant 4 : i32
      %dma_wait3A_251 = arith.constant 4 : i32
      %dma_wait3A_252 = arith.constant 0 : i32
      %dma_wait3A_253 = arith.constant 0 : i32
      %dma_wait3A_254 = tpu.memref_slice %arg6[%dma_wait3A_251, %dma_wait3A_252, %dma_wait3A_253] : memref<16x128x16xbf16, #tpu.memory_space<vmem>> -> memref<1x128x16xbf16, #tpu.memory_space<vmem>>
      %dma_wait3A_255 = tpu.memref_squeeze %dma_wait3A_254 : memref<1x128x16xbf16, #tpu.memory_space<vmem>> -> memref<128x16xbf16, #tpu.memory_space<vmem>>
      %dma_wait3A_256 = arith.constant 0 : i32
      %dma_wait3A_257 = tpu.memref_slice %arg5[%dma_wait3A_250, %dma_wait3A_256] : memref<16x128xi32, #tpu.memory_space<vmem>> -> memref<1x128xi32, #tpu.memory_space<vmem>>
      %dma_wait3A_258 = tpu.memref_squeeze %dma_wait3A_257 : memref<1x128xi32, #tpu.memory_space<vmem>> -> memref<128xi32, #tpu.memory_space<vmem>>
      %dma_wait3A_259 = arith.constant 0 : i32
      %dma_wait3A_260 = arith.constant 0 : i32
      %dma_wait3A_261 = tpu.memref_slice %arg2[%dma_wait3A_259, %dma_wait3A_260] : memref<1703936x16xbf16, #tpu.memory_space<hbm>> -> memref<1703936x16xbf16, #tpu.memory_space<hbm>>
      tpu.wait_indirect_dma semaphore(%arg7 : memref<!tpu.dma_semaphore, #tpu.memory_space<semaphore_mem>>) src(%dma_wait3A_261 : memref<1703936x16xbf16, #tpu.memory_space<hbm>>) dst(%dma_wait3A_255 : memref<128x16xbf16, #tpu.memory_space<vmem>>)
      %dma_wait3A_262 = arith.constant 5 : i32
      %dma_wait3A_263 = arith.constant 5 : i32
      %dma_wait3A_264 = arith.constant 0 : i32
      %dma_wait3A_265 = arith.constant 0 : i32
      %dma_wait3A_266 = tpu.memref_slice %arg6[%dma_wait3A_263, %dma_wait3A_264, %dma_wait3A_265] : memref<16x128x16xbf16, #tpu.memory_space<vmem>> -> memref<1x128x16xbf16, #tpu.memory_space<vmem>>
      %dma_wait3A_267 = tpu.memref_squeeze %dma_wait3A_266 : memref<1x128x16xbf16, #tpu.memory_space<vmem>> -> memref<128x16xbf16, #tpu.memory_space<vmem>>
      %dma_wait3A_268 = arith.constant 0 : i32
      %dma_wait3A_269 = tpu.memref_slice %arg5[%dma_wait3A_262, %dma_wait3A_268] : memref<16x128xi32, #tpu.memory_space<vmem>> -> memref<1x128xi32, #tpu.memory_space<vmem>>
      %dma_wait3A_270 = tpu.memref_squeeze %dma_wait3A_269 : memref<1x128xi32, #tpu.memory_space<vmem>> -> memref<128xi32, #tpu.memory_space<vmem>>
      %dma_wait3A_271 = arith.constant 0 : i32
      %dma_wait3A_272 = arith.constant 0 : i32
      %dma_wait3A_273 = tpu.memref_slice %arg2[%dma_wait3A_271, %dma_wait3A_272] : memref<1703936x16xbf16, #tpu.memory_space<hbm>> -> memref<1703936x16xbf16, #tpu.memory_space<hbm>>
      tpu.wait_indirect_dma semaphore(%arg7 : memref<!tpu.dma_semaphore, #tpu.memory_space<semaphore_mem>>) src(%dma_wait3A_273 : memref<1703936x16xbf16, #tpu.memory_space<hbm>>) dst(%dma_wait3A_267 : memref<128x16xbf16, #tpu.memory_space<vmem>>)
      %dma_wait3A_274 = arith.constant 6 : i32
      %dma_wait3A_275 = arith.constant 6 : i32
      %dma_wait3A_276 = arith.constant 0 : i32
      %dma_wait3A_277 = arith.constant 0 : i32
      %dma_wait3A_278 = tpu.memref_slice %arg6[%dma_wait3A_275, %dma_wait3A_276, %dma_wait3A_277] : memref<16x128x16xbf16, #tpu.memory_space<vmem>> -> memref<1x128x16xbf16, #tpu.memory_space<vmem>>
      %dma_wait3A_279 = tpu.memref_squeeze %dma_wait3A_278 : memref<1x128x16xbf16, #tpu.memory_space<vmem>> -> memref<128x16xbf16, #tpu.memory_space<vmem>>
      %dma_wait3A_280 = arith.constant 0 : i32
      %dma_wait3A_281 = tpu.memref_slice %arg5[%dma_wait3A_274, %dma_wait3A_280] : memref<16x128xi32, #tpu.memory_space<vmem>> -> memref<1x128xi32, #tpu.memory_space<vmem>>
      %dma_wait3A_282 = tpu.memref_squeeze %dma_wait3A_281 : memref<1x128xi32, #tpu.memory_space<vmem>> -> memref<128xi32, #tpu.memory_space<vmem>>
      %dma_wait3A_283 = arith.constant 0 : i32
      %dma_wait3A_284 = arith.constant 0 : i32
      %dma_wait3A_285 = tpu.memref_slice %arg2[%dma_wait3A_283, %dma_wait3A_284] : memref<1703936x16xbf16, #tpu.memory_space<hbm>> -> memref<1703936x16xbf16, #tpu.memory_space<hbm>>
      tpu.wait_indirect_dma semaphore(%arg7 : memref<!tpu.dma_semaphore, #tpu.memory_space<semaphore_mem>>) src(%dma_wait3A_285 : memref<1703936x16xbf16, #tpu.memory_space<hbm>>) dst(%dma_wait3A_279 : memref<128x16xbf16, #tpu.memory_space<vmem>>)
      %dma_wait3A_286 = arith.constant 7 : i32
      %dma_wait3A_287 = arith.constant 7 : i32
      %dma_wait3A_288 = arith.constant 0 : i32
      %dma_wait3A_289 = arith.constant 0 : i32
      %dma_wait3A_290 = tpu.memref_slice %arg6[%dma_wait3A_287, %dma_wait3A_288, %dma_wait3A_289] : memref<16x128x16xbf16, #tpu.memory_space<vmem>> -> memref<1x128x16xbf16, #tpu.memory_space<vmem>>
      %dma_wait3A_291 = tpu.memref_squeeze %dma_wait3A_290 : memref<1x128x16xbf16, #tpu.memory_space<vmem>> -> memref<128x16xbf16, #tpu.memory_space<vmem>>
      %dma_wait3A_292 = arith.constant 0 : i32
      %dma_wait3A_293 = tpu.memref_slice %arg5[%dma_wait3A_286, %dma_wait3A_292] : memref<16x128xi32, #tpu.memory_space<vmem>> -> memref<1x128xi32, #tpu.memory_space<vmem>>
      %dma_wait3A_294 = tpu.memref_squeeze %dma_wait3A_293 : memref<1x128xi32, #tpu.memory_space<vmem>> -> memref<128xi32, #tpu.memory_space<vmem>>
      %dma_wait3A_295 = arith.constant 0 : i32
      %dma_wait3A_296 = arith.constant 0 : i32
      %dma_wait3A_297 = tpu.memref_slice %arg2[%dma_wait3A_295, %dma_wait3A_296] : memref<1703936x16xbf16, #tpu.memory_space<hbm>> -> memref<1703936x16xbf16, #tpu.memory_space<hbm>>
      tpu.wait_indirect_dma semaphore(%arg7 : memref<!tpu.dma_semaphore, #tpu.memory_space<semaphore_mem>>) src(%dma_wait3A_297 : memref<1703936x16xbf16, #tpu.memory_space<hbm>>) dst(%dma_wait3A_291 : memref<128x16xbf16, #tpu.memory_space<vmem>>)
      %dma_wait3A_298 = arith.constant 8 : i32
      %dma_wait3A_299 = arith.constant 8 : i32
      %dma_wait3A_300 = arith.constant 0 : i32
      %dma_wait3A_301 = arith.constant 0 : i32
      %dma_wait3A_302 = tpu.memref_slice %arg6[%dma_wait3A_299, %dma_wait3A_300, %dma_wait3A_301] : memref<16x128x16xbf16, #tpu.memory_space<vmem>> -> memref<1x128x16xbf16, #tpu.memory_space<vmem>>
      %dma_wait3A_303 = tpu.memref_squeeze %dma_wait3A_302 : memref<1x128x16xbf16, #tpu.memory_space<vmem>> -> memref<128x16xbf16, #tpu.memory_space<vmem>>
      %dma_wait3A_304 = arith.constant 0 : i32
      %dma_wait3A_305 = tpu.memref_slice %arg5[%dma_wait3A_298, %dma_wait3A_304] : memref<16x128xi32, #tpu.memory_space<vmem>> -> memref<1x128xi32, #tpu.memory_space<vmem>>
      %dma_wait3A_306 = tpu.memref_squeeze %dma_wait3A_305 : memref<1x128xi32, #tpu.memory_space<vmem>> -> memref<128xi32, #tpu.memory_space<vmem>>
      %dma_wait3A_307 = arith.constant 0 : i32
      %dma_wait3A_308 = arith.constant 0 : i32
      %dma_wait3A_309 = tpu.memref_slice %arg2[%dma_wait3A_307, %dma_wait3A_308] : memref<1703936x16xbf16, #tpu.memory_space<hbm>> -> memref<1703936x16xbf16, #tpu.memory_space<hbm>>
      tpu.wait_indirect_dma semaphore(%arg7 : memref<!tpu.dma_semaphore, #tpu.memory_space<semaphore_mem>>) src(%dma_wait3A_309 : memref<1703936x16xbf16, #tpu.memory_space<hbm>>) dst(%dma_wait3A_303 : memref<128x16xbf16, #tpu.memory_space<vmem>>)
      %dma_wait3A_310 = arith.constant 9 : i32
      %dma_wait3A_311 = arith.constant 9 : i32
      %dma_wait3A_312 = arith.constant 0 : i32
      %dma_wait3A_313 = arith.constant 0 : i32
      %dma_wait3A_314 = tpu.memref_slice %arg6[%dma_wait3A_311, %dma_wait3A_312, %dma_wait3A_313] : memref<16x128x16xbf16, #tpu.memory_space<vmem>> -> memref<1x128x16xbf16, #tpu.memory_space<vmem>>
      %dma_wait3A_315 = tpu.memref_squeeze %dma_wait3A_314 : memref<1x128x16xbf16, #tpu.memory_space<vmem>> -> memref<128x16xbf16, #tpu.memory_space<vmem>>
      %dma_wait3A_316 = arith.constant 0 : i32
      %dma_wait3A_317 = tpu.memref_slice %arg5[%dma_wait3A_310, %dma_wait3A_316] : memref<16x128xi32, #tpu.memory_space<vmem>> -> memref<1x128xi32, #tpu.memory_space<vmem>>
      %dma_wait3A_318 = tpu.memref_squeeze %dma_wait3A_317 : memref<1x128xi32, #tpu.memory_space<vmem>> -> memref<128xi32, #tpu.memory_space<vmem>>
      %dma_wait3A_319 = arith.constant 0 : i32
      %dma_wait3A_320 = arith.constant 0 : i32
      %dma_wait3A_321 = tpu.memref_slice %arg2[%dma_wait3A_319, %dma_wait3A_320] : memref<1703936x16xbf16, #tpu.memory_space<hbm>> -> memref<1703936x16xbf16, #tpu.memory_space<hbm>>
      tpu.wait_indirect_dma semaphore(%arg7 : memref<!tpu.dma_semaphore, #tpu.memory_space<semaphore_mem>>) src(%dma_wait3A_321 : memref<1703936x16xbf16, #tpu.memory_space<hbm>>) dst(%dma_wait3A_315 : memref<128x16xbf16, #tpu.memory_space<vmem>>)
      %dma_wait3A_322 = arith.constant 10 : i32
      %dma_wait3A_323 = arith.constant 10 : i32
      %dma_wait3A_324 = arith.constant 0 : i32
      %dma_wait3A_325 = arith.constant 0 : i32
      %dma_wait3A_326 = tpu.memref_slice %arg6[%dma_wait3A_323, %dma_wait3A_324, %dma_wait3A_325] : memref<16x128x16xbf16, #tpu.memory_space<vmem>> -> memref<1x128x16xbf16, #tpu.memory_space<vmem>>
      %dma_wait3A_327 = tpu.memref_squeeze %dma_wait3A_326 : memref<1x128x16xbf16, #tpu.memory_space<vmem>> -> memref<128x16xbf16, #tpu.memory_space<vmem>>
      %dma_wait3A_328 = arith.constant 0 : i32
      %dma_wait3A_329 = tpu.memref_slice %arg5[%dma_wait3A_322, %dma_wait3A_328] : memref<16x128xi32, #tpu.memory_space<vmem>> -> memref<1x128xi32, #tpu.memory_space<vmem>>
      %dma_wait3A_330 = tpu.memref_squeeze %dma_wait3A_329 : memref<1x128xi32, #tpu.memory_space<vmem>> -> memref<128xi32, #tpu.memory_space<vmem>>
      %dma_wait3A_331 = arith.constant 0 : i32
      %dma_wait3A_332 = arith.constant 0 : i32
      %dma_wait3A_333 = tpu.memref_slice %arg2[%dma_wait3A_331, %dma_wait3A_332] : memref<1703936x16xbf16, #tpu.memory_space<hbm>> -> memref<1703936x16xbf16, #tpu.memory_space<hbm>>
      tpu.wait_indirect_dma semaphore(%arg7 : memref<!tpu.dma_semaphore, #tpu.memory_space<semaphore_mem>>) src(%dma_wait3A_333 : memref<1703936x16xbf16, #tpu.memory_space<hbm>>) dst(%dma_wait3A_327 : memref<128x16xbf16, #tpu.memory_space<vmem>>)
      %dma_wait3A_334 = arith.constant 11 : i32
      %dma_wait3A_335 = arith.constant 11 : i32
      %dma_wait3A_336 = arith.constant 0 : i32
      %dma_wait3A_337 = arith.constant 0 : i32
      %dma_wait3A_338 = tpu.memref_slice %arg6[%dma_wait3A_335, %dma_wait3A_336, %dma_wait3A_337] : memref<16x128x16xbf16, #tpu.memory_space<vmem>> -> memref<1x128x16xbf16, #tpu.memory_space<vmem>>
      %dma_wait3A_339 = tpu.memref_squeeze %dma_wait3A_338 : memref<1x128x16xbf16, #tpu.memory_space<vmem>> -> memref<128x16xbf16, #tpu.memory_space<vmem>>
      %dma_wait3A_340 = arith.constant 0 : i32
      %dma_wait3A_341 = tpu.memref_slice %arg5[%dma_wait3A_334, %dma_wait3A_340] : memref<16x128xi32, #tpu.memory_space<vmem>> -> memref<1x128xi32, #tpu.memory_space<vmem>>
      %dma_wait3A_342 = tpu.memref_squeeze %dma_wait3A_341 : memref<1x128xi32, #tpu.memory_space<vmem>> -> memref<128xi32, #tpu.memory_space<vmem>>
      %dma_wait3A_343 = arith.constant 0 : i32
      %dma_wait3A_344 = arith.constant 0 : i32
      %dma_wait3A_345 = tpu.memref_slice %arg2[%dma_wait3A_343, %dma_wait3A_344] : memref<1703936x16xbf16, #tpu.memory_space<hbm>> -> memref<1703936x16xbf16, #tpu.memory_space<hbm>>
      tpu.wait_indirect_dma semaphore(%arg7 : memref<!tpu.dma_semaphore, #tpu.memory_space<semaphore_mem>>) src(%dma_wait3A_345 : memref<1703936x16xbf16, #tpu.memory_space<hbm>>) dst(%dma_wait3A_339 : memref<128x16xbf16, #tpu.memory_space<vmem>>)
      %dma_wait3A_346 = arith.constant 12 : i32
      %dma_wait3A_347 = arith.constant 12 : i32
      %dma_wait3A_348 = arith.constant 0 : i32
      %dma_wait3A_349 = arith.constant 0 : i32
      %dma_wait3A_350 = tpu.memref_slice %arg6[%dma_wait3A_347, %dma_wait3A_348, %dma_wait3A_349] : memref<16x128x16xbf16, #tpu.memory_space<vmem>> -> memref<1x128x16xbf16, #tpu.memory_space<vmem>>
      %dma_wait3A_351 = tpu.memref_squeeze %dma_wait3A_350 : memref<1x128x16xbf16, #tpu.memory_space<vmem>> -> memref<128x16xbf16, #tpu.memory_space<vmem>>
      %dma_wait3A_352 = arith.constant 0 : i32
      %dma_wait3A_353 = tpu.memref_slice %arg5[%dma_wait3A_346, %dma_wait3A_352] : memref<16x128xi32, #tpu.memory_space<vmem>> -> memref<1x128xi32, #tpu.memory_space<vmem>>
      %dma_wait3A_354 = tpu.memref_squeeze %dma_wait3A_353 : memref<1x128xi32, #tpu.memory_space<vmem>> -> memref<128xi32, #tpu.memory_space<vmem>>
      %dma_wait3A_355 = arith.constant 0 : i32
      %dma_wait3A_356 = arith.constant 0 : i32
      %dma_wait3A_357 = tpu.memref_slice %arg2[%dma_wait3A_355, %dma_wait3A_356] : memref<1703936x16xbf16, #tpu.memory_space<hbm>> -> memref<1703936x16xbf16, #tpu.memory_space<hbm>>
      tpu.wait_indirect_dma semaphore(%arg7 : memref<!tpu.dma_semaphore, #tpu.memory_space<semaphore_mem>>) src(%dma_wait3A_357 : memref<1703936x16xbf16, #tpu.memory_space<hbm>>) dst(%dma_wait3A_351 : memref<128x16xbf16, #tpu.memory_space<vmem>>)
      %dma_wait3A_358 = arith.constant 13 : i32
      %dma_wait3A_359 = arith.constant 13 : i32
      %dma_wait3A_360 = arith.constant 0 : i32
      %dma_wait3A_361 = arith.constant 0 : i32
      %dma_wait3A_362 = tpu.memref_slice %arg6[%dma_wait3A_359, %dma_wait3A_360, %dma_wait3A_361] : memref<16x128x16xbf16, #tpu.memory_space<vmem>> -> memref<1x128x16xbf16, #tpu.memory_space<vmem>>
      %dma_wait3A_363 = tpu.memref_squeeze %dma_wait3A_362 : memref<1x128x16xbf16, #tpu.memory_space<vmem>> -> memref<128x16xbf16, #tpu.memory_space<vmem>>
      %dma_wait3A_364 = arith.constant 0 : i32
      %dma_wait3A_365 = tpu.memref_slice %arg5[%dma_wait3A_358, %dma_wait3A_364] : memref<16x128xi32, #tpu.memory_space<vmem>> -> memref<1x128xi32, #tpu.memory_space<vmem>>
      %dma_wait3A_366 = tpu.memref_squeeze %dma_wait3A_365 : memref<1x128xi32, #tpu.memory_space<vmem>> -> memref<128xi32, #tpu.memory_space<vmem>>
      %dma_wait3A_367 = arith.constant 0 : i32
      %dma_wait3A_368 = arith.constant 0 : i32
      %dma_wait3A_369 = tpu.memref_slice %arg2[%dma_wait3A_367, %dma_wait3A_368] : memref<1703936x16xbf16, #tpu.memory_space<hbm>> -> memref<1703936x16xbf16, #tpu.memory_space<hbm>>
      tpu.wait_indirect_dma semaphore(%arg7 : memref<!tpu.dma_semaphore, #tpu.memory_space<semaphore_mem>>) src(%dma_wait3A_369 : memref<1703936x16xbf16, #tpu.memory_space<hbm>>) dst(%dma_wait3A_363 : memref<128x16xbf16, #tpu.memory_space<vmem>>)
      %dma_wait3A_370 = arith.constant 14 : i32
      %dma_wait3A_371 = arith.constant 14 : i32
      %dma_wait3A_372 = arith.constant 0 : i32
      %dma_wait3A_373 = arith.constant 0 : i32
      %dma_wait3A_374 = tpu.memref_slice %arg6[%dma_wait3A_371, %dma_wait3A_372, %dma_wait3A_373] : memref<16x128x16xbf16, #tpu.memory_space<vmem>> -> memref<1x128x16xbf16, #tpu.memory_space<vmem>>
      %dma_wait3A_375 = tpu.memref_squeeze %dma_wait3A_374 : memref<1x128x16xbf16, #tpu.memory_space<vmem>> -> memref<128x16xbf16, #tpu.memory_space<vmem>>
      %dma_wait3A_376 = arith.constant 0 : i32
      %dma_wait3A_377 = tpu.memref_slice %arg5[%dma_wait3A_370, %dma_wait3A_376] : memref<16x128xi32, #tpu.memory_space<vmem>> -> memref<1x128xi32, #tpu.memory_space<vmem>>
      %dma_wait3A_378 = tpu.memref_squeeze %dma_wait3A_377 : memref<1x128xi32, #tpu.memory_space<vmem>> -> memref<128xi32, #tpu.memory_space<vmem>>
      %dma_wait3A_379 = arith.constant 0 : i32
      %dma_wait3A_380 = arith.constant 0 : i32
      %dma_wait3A_381 = tpu.memref_slice %arg2[%dma_wait3A_379, %dma_wait3A_380] : memref<1703936x16xbf16, #tpu.memory_space<hbm>> -> memref<1703936x16xbf16, #tpu.memory_space<hbm>>
      tpu.wait_indirect_dma semaphore(%arg7 : memref<!tpu.dma_semaphore, #tpu.memory_space<semaphore_mem>>) src(%dma_wait3A_381 : memref<1703936x16xbf16, #tpu.memory_space<hbm>>) dst(%dma_wait3A_375 : memref<128x16xbf16, #tpu.memory_space<vmem>>)
      %dma_wait3A_382 = arith.constant 15 : i32
      %dma_wait3A_383 = arith.constant 15 : i32
      %dma_wait3A_384 = arith.constant 0 : i32
      %dma_wait3A_385 = arith.constant 0 : i32
      %dma_wait3A_386 = tpu.memref_slice %arg6[%dma_wait3A_383, %dma_wait3A_384, %dma_wait3A_385] : memref<16x128x16xbf16, #tpu.memory_space<vmem>> -> memref<1x128x16xbf16, #tpu.memory_space<vmem>>
      %dma_wait3A_387 = tpu.memref_squeeze %dma_wait3A_386 : memref<1x128x16xbf16, #tpu.memory_space<vmem>> -> memref<128x16xbf16, #tpu.memory_space<vmem>>
      %dma_wait3A_388 = arith.constant 0 : i32
      %dma_wait3A_389 = tpu.memref_slice %arg5[%dma_wait3A_382, %dma_wait3A_388] : memref<16x128xi32, #tpu.memory_space<vmem>> -> memref<1x128xi32, #tpu.memory_space<vmem>>
      %dma_wait3A_390 = tpu.memref_squeeze %dma_wait3A_389 : memref<1x128xi32, #tpu.memory_space<vmem>> -> memref<128xi32, #tpu.memory_space<vmem>>
      %dma_wait3A_391 = arith.constant 0 : i32
      %dma_wait3A_392 = arith.constant 0 : i32
      %dma_wait3A_393 = tpu.memref_slice %arg2[%dma_wait3A_391, %dma_wait3A_392] : memref<1703936x16xbf16, #tpu.memory_space<hbm>> -> memref<1703936x16xbf16, #tpu.memory_space<hbm>>
      tpu.wait_indirect_dma semaphore(%arg7 : memref<!tpu.dma_semaphore, #tpu.memory_space<semaphore_mem>>) src(%dma_wait3A_393 : memref<1703936x16xbf16, #tpu.memory_space<hbm>>) dst(%dma_wait3A_387 : memref<128x16xbf16, #tpu.memory_space<vmem>>)
      "tpu.region"() ({
        %run_scoped3A = tpu.sem_alloc : memref<!tpu.dma_semaphore, #tpu.memory_space<semaphore_mem>>
        %dma_start3A_394 = arith.constant 0 : i32
        %dma_start3A_395 = arith.constant 0 : i32
        %dma_start3A_396 = tpu.memref_slice %arg4[%add3A_11, %dma_start3A_394, %dma_start3A_395] : memref<2048x128x16xbf16, #tpu.memory_space<hbm>> -> memref<16x128x16xbf16, #tpu.memory_space<hbm>>
        %dma_start3A_397 = arith.constant 0 : i32
        %dma_start3A_398 = arith.constant 0 : i32
        %dma_start3A_399 = tpu.memref_slice %arg4[%add3A_11, %dma_start3A_397, %dma_start3A_398] : memref<2048x128x16xbf16, #tpu.memory_space<hbm>> -> memref<16x128x16xbf16, #tpu.memory_space<hbm>>
        tpu.enqueue_dma source(%arg6 : memref<16x128x16xbf16, #tpu.memory_space<vmem>>) target(%dma_start3A_399 : memref<16x128x16xbf16, #tpu.memory_space<hbm>>) target_semaphore(%run_scoped3A : memref<!tpu.dma_semaphore, #tpu.memory_space<semaphore_mem>>)
        %dma_wait3A_400 = arith.constant 0 : i32
        %dma_wait3A_401 = arith.constant 0 : i32
        %dma_wait3A_402 = tpu.memref_slice %arg4[%add3A_11, %dma_wait3A_400, %dma_wait3A_401] : memref<2048x128x16xbf16, #tpu.memory_space<hbm>> -> memref<16x128x16xbf16, #tpu.memory_space<hbm>>
        %dma_wait3A_403 = arith.constant 0 : i32
        %dma_wait3A_404 = arith.constant 0 : i32
        %dma_wait3A_405 = tpu.memref_slice %arg4[%add3A_11, %dma_wait3A_403, %dma_wait3A_404] : memref<2048x128x16xbf16, #tpu.memory_space<hbm>> -> memref<16x128x16xbf16, #tpu.memory_space<hbm>>
        tpu.wait_dma2 semaphore(%run_scoped3A : memref<!tpu.dma_semaphore, #tpu.memory_space<semaphore_mem>>) src(%arg6 : memref<16x128x16xbf16, #tpu.memory_space<vmem>>) dst(%dma_wait3A_405 : memref<16x128x16xbf16, #tpu.memory_space<hbm>>)
        tpu.yield
      }) : () -> ()
    }
    %scan3A_7 = arith.constant 4 : i32
    return
  }
}

#map = affine_map<(d0, d1) -> (0, 0)>
#map1 = affine_map<(d0, d1) -> (0, 0, 0)>
module attributes {stable_mosaic.version = 14 : i64} {
  func.func @body(%arg0: i32, %arg1: i32, %arg2: memref<1064960x16xbf16, #tpu.memory_space<hbm>>, %arg3: memref<1280x128xi32, #tpu.memory_space<hbm>>, %arg4: memref<1280x128x16xbf16, #tpu.memory_space<hbm>>, %arg5: memref<8x128xi32, #tpu.memory_space<vmem>>, %arg6: memref<8x128x16xbf16, #tpu.memory_space<vmem>>, %arg7: memref<!tpu.dma_semaphore, #tpu.memory_space<semaphore_mem>>) attributes {dimension_semantics = [#tpu.dimension_semantics<core_parallel>, #tpu.dimension_semantics<subcore_parallel>], iteration_bounds = array<i64: 2, 16>, scalar_prefetch = 0 : i64, scratch_operands = 3 : i64, tpu.core_type = #tpu.core_type<sc_vector_subcore>, window_params = [{transform_indices = #map}, {transform_indices = #map}, {transform_indices = #map1}]} {
    %mul3A = arith.constant 2 : i32
    %mul3A_0 = arith.muli %arg1, %mul3A : i32
    %add3A = arith.addi %mul3A_0, %arg0 : i32
    %mul3A_1 = arith.constant 40 : i32
    %mul3A_2 = arith.muli %add3A, %mul3A_1 : i32
    %scan3A = arith.constant 0 : i32
    %scan3A_3 = arith.constant 0 : i32
    %scan3A_4 = arith.constant 5 : i32
    %scan3A_5 = arith.addi %scan3A_3, %scan3A_4 : i32
    %scan3A_6 = arith.constant 1 : i32
    scf.for %scan3A_8 = %scan3A_3 to %scan3A_5 step %scan3A_6  : i32 {
      %mul3A_9 = arith.constant 8 : i32
      %mul3A_10 = arith.muli %scan3A_8, %mul3A_9 : i32
      %add3A_11 = arith.addi %mul3A_2, %mul3A_10 : i32
      "tpu.region"() ({
        %run_scoped3A = tpu.sem_alloc : memref<!tpu.dma_semaphore, #tpu.memory_space<semaphore_mem>>
        %dma_start3A_202 = arith.constant 0 : i32
        %dma_start3A_203 = tpu.memref_slice %arg3[%add3A_11, %dma_start3A_202] : memref<1280x128xi32, #tpu.memory_space<hbm>> -> memref<8x128xi32, #tpu.memory_space<hbm>>
        %dma_start3A_204 = arith.constant 0 : i32
        %dma_start3A_205 = tpu.memref_slice %arg3[%add3A_11, %dma_start3A_204] : memref<1280x128xi32, #tpu.memory_space<hbm>> -> memref<8x128xi32, #tpu.memory_space<hbm>>
        tpu.enqueue_dma source(%dma_start3A_205 : memref<8x128xi32, #tpu.memory_space<hbm>>) target(%arg5 : memref<8x128xi32, #tpu.memory_space<vmem>>) target_semaphore(%run_scoped3A : memref<!tpu.dma_semaphore, #tpu.memory_space<semaphore_mem>>)
        %dma_wait3A_206 = arith.constant 0 : i32
        %dma_wait3A_207 = tpu.memref_slice %arg3[%add3A_11, %dma_wait3A_206] : memref<1280x128xi32, #tpu.memory_space<hbm>> -> memref<8x128xi32, #tpu.memory_space<hbm>>
        %dma_wait3A_208 = arith.constant 0 : i32
        %dma_wait3A_209 = tpu.memref_slice %arg3[%add3A_11, %dma_wait3A_208] : memref<1280x128xi32, #tpu.memory_space<hbm>> -> memref<8x128xi32, #tpu.memory_space<hbm>>
        tpu.wait_dma2 semaphore(%run_scoped3A : memref<!tpu.dma_semaphore, #tpu.memory_space<semaphore_mem>>) src(%dma_wait3A_209 : memref<8x128xi32, #tpu.memory_space<hbm>>) dst(%arg5 : memref<8x128xi32, #tpu.memory_space<vmem>>)
        tpu.yield
      }) : () -> ()
      %dma_start3A = arith.constant 0 : i32
      %dma_start3A_12 = arith.constant 0 : i32
      %dma_start3A_13 = arith.constant 0 : i32
      %dma_start3A_14 = arith.constant 0 : i32
      %dma_start3A_15 = tpu.memref_slice %arg6[%dma_start3A_12, %dma_start3A_13, %dma_start3A_14] : memref<8x128x16xbf16, #tpu.memory_space<vmem>> -> memref<1x128x16xbf16, #tpu.memory_space<vmem>>
      %dma_start3A_16 = tpu.memref_squeeze %dma_start3A_15 : memref<1x128x16xbf16, #tpu.memory_space<vmem>> -> memref<128x16xbf16, #tpu.memory_space<vmem>>
      %dma_start3A_17 = arith.constant 0 : i32
      %dma_start3A_18 = tpu.memref_slice %arg5[%dma_start3A, %dma_start3A_17] : memref<8x128xi32, #tpu.memory_space<vmem>> -> memref<1x128xi32, #tpu.memory_space<vmem>>
      %dma_start3A_19 = tpu.memref_squeeze %dma_start3A_18 : memref<1x128xi32, #tpu.memory_space<vmem>> -> memref<128xi32, #tpu.memory_space<vmem>>
      %dma_start3A_20 = arith.constant 0 : i32
      %dma_start3A_21 = arith.constant 0 : i32
      %dma_start3A_22 = tpu.memref_slice %arg2[%dma_start3A_20, %dma_start3A_21] : memref<1064960x16xbf16, #tpu.memory_space<hbm>> -> memref<1064960x16xbf16, #tpu.memory_space<hbm>>
      tpu.enqueue_indirect_dma source(%dma_start3A_22 : memref<1064960x16xbf16, #tpu.memory_space<hbm>>) target(%dma_start3A_16 : memref<128x16xbf16, #tpu.memory_space<vmem>>) offsets(%dma_start3A_19 : memref<128xi32, #tpu.memory_space<vmem>>) semaphore(%arg7 : memref<!tpu.dma_semaphore, #tpu.memory_space<semaphore_mem>>)
      %dma_start3A_23 = arith.constant 1 : i32
      %dma_start3A_24 = arith.constant 1 : i32
      %dma_start3A_25 = arith.constant 0 : i32
      %dma_start3A_26 = arith.constant 0 : i32
      %dma_start3A_27 = tpu.memref_slice %arg6[%dma_start3A_24, %dma_start3A_25, %dma_start3A_26] : memref<8x128x16xbf16, #tpu.memory_space<vmem>> -> memref<1x128x16xbf16, #tpu.memory_space<vmem>>
      %dma_start3A_28 = tpu.memref_squeeze %dma_start3A_27 : memref<1x128x16xbf16, #tpu.memory_space<vmem>> -> memref<128x16xbf16, #tpu.memory_space<vmem>>
      %dma_start3A_29 = arith.constant 0 : i32
      %dma_start3A_30 = tpu.memref_slice %arg5[%dma_start3A_23, %dma_start3A_29] : memref<8x128xi32, #tpu.memory_space<vmem>> -> memref<1x128xi32, #tpu.memory_space<vmem>>
      %dma_start3A_31 = tpu.memref_squeeze %dma_start3A_30 : memref<1x128xi32, #tpu.memory_space<vmem>> -> memref<128xi32, #tpu.memory_space<vmem>>
      %dma_start3A_32 = arith.constant 0 : i32
      %dma_start3A_33 = arith.constant 0 : i32
      %dma_start3A_34 = tpu.memref_slice %arg2[%dma_start3A_32, %dma_start3A_33] : memref<1064960x16xbf16, #tpu.memory_space<hbm>> -> memref<1064960x16xbf16, #tpu.memory_space<hbm>>
      tpu.enqueue_indirect_dma source(%dma_start3A_34 : memref<1064960x16xbf16, #tpu.memory_space<hbm>>) target(%dma_start3A_28 : memref<128x16xbf16, #tpu.memory_space<vmem>>) offsets(%dma_start3A_31 : memref<128xi32, #tpu.memory_space<vmem>>) semaphore(%arg7 : memref<!tpu.dma_semaphore, #tpu.memory_space<semaphore_mem>>)
      %dma_start3A_35 = arith.constant 2 : i32
      %dma_start3A_36 = arith.constant 2 : i32
      %dma_start3A_37 = arith.constant 0 : i32
      %dma_start3A_38 = arith.constant 0 : i32
      %dma_start3A_39 = tpu.memref_slice %arg6[%dma_start3A_36, %dma_start3A_37, %dma_start3A_38] : memref<8x128x16xbf16, #tpu.memory_space<vmem>> -> memref<1x128x16xbf16, #tpu.memory_space<vmem>>
      %dma_start3A_40 = tpu.memref_squeeze %dma_start3A_39 : memref<1x128x16xbf16, #tpu.memory_space<vmem>> -> memref<128x16xbf16, #tpu.memory_space<vmem>>
      %dma_start3A_41 = arith.constant 0 : i32
      %dma_start3A_42 = tpu.memref_slice %arg5[%dma_start3A_35, %dma_start3A_41] : memref<8x128xi32, #tpu.memory_space<vmem>> -> memref<1x128xi32, #tpu.memory_space<vmem>>
      %dma_start3A_43 = tpu.memref_squeeze %dma_start3A_42 : memref<1x128xi32, #tpu.memory_space<vmem>> -> memref<128xi32, #tpu.memory_space<vmem>>
      %dma_start3A_44 = arith.constant 0 : i32
      %dma_start3A_45 = arith.constant 0 : i32
      %dma_start3A_46 = tpu.memref_slice %arg2[%dma_start3A_44, %dma_start3A_45] : memref<1064960x16xbf16, #tpu.memory_space<hbm>> -> memref<1064960x16xbf16, #tpu.memory_space<hbm>>
      tpu.enqueue_indirect_dma source(%dma_start3A_46 : memref<1064960x16xbf16, #tpu.memory_space<hbm>>) target(%dma_start3A_40 : memref<128x16xbf16, #tpu.memory_space<vmem>>) offsets(%dma_start3A_43 : memref<128xi32, #tpu.memory_space<vmem>>) semaphore(%arg7 : memref<!tpu.dma_semaphore, #tpu.memory_space<semaphore_mem>>)
      %dma_start3A_47 = arith.constant 3 : i32
      %dma_start3A_48 = arith.constant 3 : i32
      %dma_start3A_49 = arith.constant 0 : i32
      %dma_start3A_50 = arith.constant 0 : i32
      %dma_start3A_51 = tpu.memref_slice %arg6[%dma_start3A_48, %dma_start3A_49, %dma_start3A_50] : memref<8x128x16xbf16, #tpu.memory_space<vmem>> -> memref<1x128x16xbf16, #tpu.memory_space<vmem>>
      %dma_start3A_52 = tpu.memref_squeeze %dma_start3A_51 : memref<1x128x16xbf16, #tpu.memory_space<vmem>> -> memref<128x16xbf16, #tpu.memory_space<vmem>>
      %dma_start3A_53 = arith.constant 0 : i32
      %dma_start3A_54 = tpu.memref_slice %arg5[%dma_start3A_47, %dma_start3A_53] : memref<8x128xi32, #tpu.memory_space<vmem>> -> memref<1x128xi32, #tpu.memory_space<vmem>>
      %dma_start3A_55 = tpu.memref_squeeze %dma_start3A_54 : memref<1x128xi32, #tpu.memory_space<vmem>> -> memref<128xi32, #tpu.memory_space<vmem>>
      %dma_start3A_56 = arith.constant 0 : i32
      %dma_start3A_57 = arith.constant 0 : i32
      %dma_start3A_58 = tpu.memref_slice %arg2[%dma_start3A_56, %dma_start3A_57] : memref<1064960x16xbf16, #tpu.memory_space<hbm>> -> memref<1064960x16xbf16, #tpu.memory_space<hbm>>
      tpu.enqueue_indirect_dma source(%dma_start3A_58 : memref<1064960x16xbf16, #tpu.memory_space<hbm>>) target(%dma_start3A_52 : memref<128x16xbf16, #tpu.memory_space<vmem>>) offsets(%dma_start3A_55 : memref<128xi32, #tpu.memory_space<vmem>>) semaphore(%arg7 : memref<!tpu.dma_semaphore, #tpu.memory_space<semaphore_mem>>)
      %dma_start3A_59 = arith.constant 4 : i32
      %dma_start3A_60 = arith.constant 4 : i32
      %dma_start3A_61 = arith.constant 0 : i32
      %dma_start3A_62 = arith.constant 0 : i32
      %dma_start3A_63 = tpu.memref_slice %arg6[%dma_start3A_60, %dma_start3A_61, %dma_start3A_62] : memref<8x128x16xbf16, #tpu.memory_space<vmem>> -> memref<1x128x16xbf16, #tpu.memory_space<vmem>>
      %dma_start3A_64 = tpu.memref_squeeze %dma_start3A_63 : memref<1x128x16xbf16, #tpu.memory_space<vmem>> -> memref<128x16xbf16, #tpu.memory_space<vmem>>
      %dma_start3A_65 = arith.constant 0 : i32
      %dma_start3A_66 = tpu.memref_slice %arg5[%dma_start3A_59, %dma_start3A_65] : memref<8x128xi32, #tpu.memory_space<vmem>> -> memref<1x128xi32, #tpu.memory_space<vmem>>
      %dma_start3A_67 = tpu.memref_squeeze %dma_start3A_66 : memref<1x128xi32, #tpu.memory_space<vmem>> -> memref<128xi32, #tpu.memory_space<vmem>>
      %dma_start3A_68 = arith.constant 0 : i32
      %dma_start3A_69 = arith.constant 0 : i32
      %dma_start3A_70 = tpu.memref_slice %arg2[%dma_start3A_68, %dma_start3A_69] : memref<1064960x16xbf16, #tpu.memory_space<hbm>> -> memref<1064960x16xbf16, #tpu.memory_space<hbm>>
      tpu.enqueue_indirect_dma source(%dma_start3A_70 : memref<1064960x16xbf16, #tpu.memory_space<hbm>>) target(%dma_start3A_64 : memref<128x16xbf16, #tpu.memory_space<vmem>>) offsets(%dma_start3A_67 : memref<128xi32, #tpu.memory_space<vmem>>) semaphore(%arg7 : memref<!tpu.dma_semaphore, #tpu.memory_space<semaphore_mem>>)
      %dma_start3A_71 = arith.constant 5 : i32
      %dma_start3A_72 = arith.constant 5 : i32
      %dma_start3A_73 = arith.constant 0 : i32
      %dma_start3A_74 = arith.constant 0 : i32
      %dma_start3A_75 = tpu.memref_slice %arg6[%dma_start3A_72, %dma_start3A_73, %dma_start3A_74] : memref<8x128x16xbf16, #tpu.memory_space<vmem>> -> memref<1x128x16xbf16, #tpu.memory_space<vmem>>
      %dma_start3A_76 = tpu.memref_squeeze %dma_start3A_75 : memref<1x128x16xbf16, #tpu.memory_space<vmem>> -> memref<128x16xbf16, #tpu.memory_space<vmem>>
      %dma_start3A_77 = arith.constant 0 : i32
      %dma_start3A_78 = tpu.memref_slice %arg5[%dma_start3A_71, %dma_start3A_77] : memref<8x128xi32, #tpu.memory_space<vmem>> -> memref<1x128xi32, #tpu.memory_space<vmem>>
      %dma_start3A_79 = tpu.memref_squeeze %dma_start3A_78 : memref<1x128xi32, #tpu.memory_space<vmem>> -> memref<128xi32, #tpu.memory_space<vmem>>
      %dma_start3A_80 = arith.constant 0 : i32
      %dma_start3A_81 = arith.constant 0 : i32
      %dma_start3A_82 = tpu.memref_slice %arg2[%dma_start3A_80, %dma_start3A_81] : memref<1064960x16xbf16, #tpu.memory_space<hbm>> -> memref<1064960x16xbf16, #tpu.memory_space<hbm>>
      tpu.enqueue_indirect_dma source(%dma_start3A_82 : memref<1064960x16xbf16, #tpu.memory_space<hbm>>) target(%dma_start3A_76 : memref<128x16xbf16, #tpu.memory_space<vmem>>) offsets(%dma_start3A_79 : memref<128xi32, #tpu.memory_space<vmem>>) semaphore(%arg7 : memref<!tpu.dma_semaphore, #tpu.memory_space<semaphore_mem>>)
      %dma_start3A_83 = arith.constant 6 : i32
      %dma_start3A_84 = arith.constant 6 : i32
      %dma_start3A_85 = arith.constant 0 : i32
      %dma_start3A_86 = arith.constant 0 : i32
      %dma_start3A_87 = tpu.memref_slice %arg6[%dma_start3A_84, %dma_start3A_85, %dma_start3A_86] : memref<8x128x16xbf16, #tpu.memory_space<vmem>> -> memref<1x128x16xbf16, #tpu.memory_space<vmem>>
      %dma_start3A_88 = tpu.memref_squeeze %dma_start3A_87 : memref<1x128x16xbf16, #tpu.memory_space<vmem>> -> memref<128x16xbf16, #tpu.memory_space<vmem>>
      %dma_start3A_89 = arith.constant 0 : i32
      %dma_start3A_90 = tpu.memref_slice %arg5[%dma_start3A_83, %dma_start3A_89] : memref<8x128xi32, #tpu.memory_space<vmem>> -> memref<1x128xi32, #tpu.memory_space<vmem>>
      %dma_start3A_91 = tpu.memref_squeeze %dma_start3A_90 : memref<1x128xi32, #tpu.memory_space<vmem>> -> memref<128xi32, #tpu.memory_space<vmem>>
      %dma_start3A_92 = arith.constant 0 : i32
      %dma_start3A_93 = arith.constant 0 : i32
      %dma_start3A_94 = tpu.memref_slice %arg2[%dma_start3A_92, %dma_start3A_93] : memref<1064960x16xbf16, #tpu.memory_space<hbm>> -> memref<1064960x16xbf16, #tpu.memory_space<hbm>>
      tpu.enqueue_indirect_dma source(%dma_start3A_94 : memref<1064960x16xbf16, #tpu.memory_space<hbm>>) target(%dma_start3A_88 : memref<128x16xbf16, #tpu.memory_space<vmem>>) offsets(%dma_start3A_91 : memref<128xi32, #tpu.memory_space<vmem>>) semaphore(%arg7 : memref<!tpu.dma_semaphore, #tpu.memory_space<semaphore_mem>>)
      %dma_start3A_95 = arith.constant 7 : i32
      %dma_start3A_96 = arith.constant 7 : i32
      %dma_start3A_97 = arith.constant 0 : i32
      %dma_start3A_98 = arith.constant 0 : i32
      %dma_start3A_99 = tpu.memref_slice %arg6[%dma_start3A_96, %dma_start3A_97, %dma_start3A_98] : memref<8x128x16xbf16, #tpu.memory_space<vmem>> -> memref<1x128x16xbf16, #tpu.memory_space<vmem>>
      %dma_start3A_100 = tpu.memref_squeeze %dma_start3A_99 : memref<1x128x16xbf16, #tpu.memory_space<vmem>> -> memref<128x16xbf16, #tpu.memory_space<vmem>>
      %dma_start3A_101 = arith.constant 0 : i32
      %dma_start3A_102 = tpu.memref_slice %arg5[%dma_start3A_95, %dma_start3A_101] : memref<8x128xi32, #tpu.memory_space<vmem>> -> memref<1x128xi32, #tpu.memory_space<vmem>>
      %dma_start3A_103 = tpu.memref_squeeze %dma_start3A_102 : memref<1x128xi32, #tpu.memory_space<vmem>> -> memref<128xi32, #tpu.memory_space<vmem>>
      %dma_start3A_104 = arith.constant 0 : i32
      %dma_start3A_105 = arith.constant 0 : i32
      %dma_start3A_106 = tpu.memref_slice %arg2[%dma_start3A_104, %dma_start3A_105] : memref<1064960x16xbf16, #tpu.memory_space<hbm>> -> memref<1064960x16xbf16, #tpu.memory_space<hbm>>
      tpu.enqueue_indirect_dma source(%dma_start3A_106 : memref<1064960x16xbf16, #tpu.memory_space<hbm>>) target(%dma_start3A_100 : memref<128x16xbf16, #tpu.memory_space<vmem>>) offsets(%dma_start3A_103 : memref<128xi32, #tpu.memory_space<vmem>>) semaphore(%arg7 : memref<!tpu.dma_semaphore, #tpu.memory_space<semaphore_mem>>)
      %dma_wait3A = arith.constant 0 : i32
      %dma_wait3A_107 = arith.constant 0 : i32
      %dma_wait3A_108 = arith.constant 0 : i32
      %dma_wait3A_109 = arith.constant 0 : i32
      %dma_wait3A_110 = tpu.memref_slice %arg6[%dma_wait3A_107, %dma_wait3A_108, %dma_wait3A_109] : memref<8x128x16xbf16, #tpu.memory_space<vmem>> -> memref<1x128x16xbf16, #tpu.memory_space<vmem>>
      %dma_wait3A_111 = tpu.memref_squeeze %dma_wait3A_110 : memref<1x128x16xbf16, #tpu.memory_space<vmem>> -> memref<128x16xbf16, #tpu.memory_space<vmem>>
      %dma_wait3A_112 = arith.constant 0 : i32
      %dma_wait3A_113 = tpu.memref_slice %arg5[%dma_wait3A, %dma_wait3A_112] : memref<8x128xi32, #tpu.memory_space<vmem>> -> memref<1x128xi32, #tpu.memory_space<vmem>>
      %dma_wait3A_114 = tpu.memref_squeeze %dma_wait3A_113 : memref<1x128xi32, #tpu.memory_space<vmem>> -> memref<128xi32, #tpu.memory_space<vmem>>
      %dma_wait3A_115 = arith.constant 0 : i32
      %dma_wait3A_116 = arith.constant 0 : i32
      %dma_wait3A_117 = tpu.memref_slice %arg2[%dma_wait3A_115, %dma_wait3A_116] : memref<1064960x16xbf16, #tpu.memory_space<hbm>> -> memref<1064960x16xbf16, #tpu.memory_space<hbm>>
      tpu.wait_indirect_dma semaphore(%arg7 : memref<!tpu.dma_semaphore, #tpu.memory_space<semaphore_mem>>) src(%dma_wait3A_117 : memref<1064960x16xbf16, #tpu.memory_space<hbm>>) dst(%dma_wait3A_111 : memref<128x16xbf16, #tpu.memory_space<vmem>>)
      %dma_wait3A_118 = arith.constant 1 : i32
      %dma_wait3A_119 = arith.constant 1 : i32
      %dma_wait3A_120 = arith.constant 0 : i32
      %dma_wait3A_121 = arith.constant 0 : i32
      %dma_wait3A_122 = tpu.memref_slice %arg6[%dma_wait3A_119, %dma_wait3A_120, %dma_wait3A_121] : memref<8x128x16xbf16, #tpu.memory_space<vmem>> -> memref<1x128x16xbf16, #tpu.memory_space<vmem>>
      %dma_wait3A_123 = tpu.memref_squeeze %dma_wait3A_122 : memref<1x128x16xbf16, #tpu.memory_space<vmem>> -> memref<128x16xbf16, #tpu.memory_space<vmem>>
      %dma_wait3A_124 = arith.constant 0 : i32
      %dma_wait3A_125 = tpu.memref_slice %arg5[%dma_wait3A_118, %dma_wait3A_124] : memref<8x128xi32, #tpu.memory_space<vmem>> -> memref<1x128xi32, #tpu.memory_space<vmem>>
      %dma_wait3A_126 = tpu.memref_squeeze %dma_wait3A_125 : memref<1x128xi32, #tpu.memory_space<vmem>> -> memref<128xi32, #tpu.memory_space<vmem>>
      %dma_wait3A_127 = arith.constant 0 : i32
      %dma_wait3A_128 = arith.constant 0 : i32
      %dma_wait3A_129 = tpu.memref_slice %arg2[%dma_wait3A_127, %dma_wait3A_128] : memref<1064960x16xbf16, #tpu.memory_space<hbm>> -> memref<1064960x16xbf16, #tpu.memory_space<hbm>>
      tpu.wait_indirect_dma semaphore(%arg7 : memref<!tpu.dma_semaphore, #tpu.memory_space<semaphore_mem>>) src(%dma_wait3A_129 : memref<1064960x16xbf16, #tpu.memory_space<hbm>>) dst(%dma_wait3A_123 : memref<128x16xbf16, #tpu.memory_space<vmem>>)
      %dma_wait3A_130 = arith.constant 2 : i32
      %dma_wait3A_131 = arith.constant 2 : i32
      %dma_wait3A_132 = arith.constant 0 : i32
      %dma_wait3A_133 = arith.constant 0 : i32
      %dma_wait3A_134 = tpu.memref_slice %arg6[%dma_wait3A_131, %dma_wait3A_132, %dma_wait3A_133] : memref<8x128x16xbf16, #tpu.memory_space<vmem>> -> memref<1x128x16xbf16, #tpu.memory_space<vmem>>
      %dma_wait3A_135 = tpu.memref_squeeze %dma_wait3A_134 : memref<1x128x16xbf16, #tpu.memory_space<vmem>> -> memref<128x16xbf16, #tpu.memory_space<vmem>>
      %dma_wait3A_136 = arith.constant 0 : i32
      %dma_wait3A_137 = tpu.memref_slice %arg5[%dma_wait3A_130, %dma_wait3A_136] : memref<8x128xi32, #tpu.memory_space<vmem>> -> memref<1x128xi32, #tpu.memory_space<vmem>>
      %dma_wait3A_138 = tpu.memref_squeeze %dma_wait3A_137 : memref<1x128xi32, #tpu.memory_space<vmem>> -> memref<128xi32, #tpu.memory_space<vmem>>
      %dma_wait3A_139 = arith.constant 0 : i32
      %dma_wait3A_140 = arith.constant 0 : i32
      %dma_wait3A_141 = tpu.memref_slice %arg2[%dma_wait3A_139, %dma_wait3A_140] : memref<1064960x16xbf16, #tpu.memory_space<hbm>> -> memref<1064960x16xbf16, #tpu.memory_space<hbm>>
      tpu.wait_indirect_dma semaphore(%arg7 : memref<!tpu.dma_semaphore, #tpu.memory_space<semaphore_mem>>) src(%dma_wait3A_141 : memref<1064960x16xbf16, #tpu.memory_space<hbm>>) dst(%dma_wait3A_135 : memref<128x16xbf16, #tpu.memory_space<vmem>>)
      %dma_wait3A_142 = arith.constant 3 : i32
      %dma_wait3A_143 = arith.constant 3 : i32
      %dma_wait3A_144 = arith.constant 0 : i32
      %dma_wait3A_145 = arith.constant 0 : i32
      %dma_wait3A_146 = tpu.memref_slice %arg6[%dma_wait3A_143, %dma_wait3A_144, %dma_wait3A_145] : memref<8x128x16xbf16, #tpu.memory_space<vmem>> -> memref<1x128x16xbf16, #tpu.memory_space<vmem>>
      %dma_wait3A_147 = tpu.memref_squeeze %dma_wait3A_146 : memref<1x128x16xbf16, #tpu.memory_space<vmem>> -> memref<128x16xbf16, #tpu.memory_space<vmem>>
      %dma_wait3A_148 = arith.constant 0 : i32
      %dma_wait3A_149 = tpu.memref_slice %arg5[%dma_wait3A_142, %dma_wait3A_148] : memref<8x128xi32, #tpu.memory_space<vmem>> -> memref<1x128xi32, #tpu.memory_space<vmem>>
      %dma_wait3A_150 = tpu.memref_squeeze %dma_wait3A_149 : memref<1x128xi32, #tpu.memory_space<vmem>> -> memref<128xi32, #tpu.memory_space<vmem>>
      %dma_wait3A_151 = arith.constant 0 : i32
      %dma_wait3A_152 = arith.constant 0 : i32
      %dma_wait3A_153 = tpu.memref_slice %arg2[%dma_wait3A_151, %dma_wait3A_152] : memref<1064960x16xbf16, #tpu.memory_space<hbm>> -> memref<1064960x16xbf16, #tpu.memory_space<hbm>>
      tpu.wait_indirect_dma semaphore(%arg7 : memref<!tpu.dma_semaphore, #tpu.memory_space<semaphore_mem>>) src(%dma_wait3A_153 : memref<1064960x16xbf16, #tpu.memory_space<hbm>>) dst(%dma_wait3A_147 : memref<128x16xbf16, #tpu.memory_space<vmem>>)
      %dma_wait3A_154 = arith.constant 4 : i32
      %dma_wait3A_155 = arith.constant 4 : i32
      %dma_wait3A_156 = arith.constant 0 : i32
      %dma_wait3A_157 = arith.constant 0 : i32
      %dma_wait3A_158 = tpu.memref_slice %arg6[%dma_wait3A_155, %dma_wait3A_156, %dma_wait3A_157] : memref<8x128x16xbf16, #tpu.memory_space<vmem>> -> memref<1x128x16xbf16, #tpu.memory_space<vmem>>
      %dma_wait3A_159 = tpu.memref_squeeze %dma_wait3A_158 : memref<1x128x16xbf16, #tpu.memory_space<vmem>> -> memref<128x16xbf16, #tpu.memory_space<vmem>>
      %dma_wait3A_160 = arith.constant 0 : i32
      %dma_wait3A_161 = tpu.memref_slice %arg5[%dma_wait3A_154, %dma_wait3A_160] : memref<8x128xi32, #tpu.memory_space<vmem>> -> memref<1x128xi32, #tpu.memory_space<vmem>>
      %dma_wait3A_162 = tpu.memref_squeeze %dma_wait3A_161 : memref<1x128xi32, #tpu.memory_space<vmem>> -> memref<128xi32, #tpu.memory_space<vmem>>
      %dma_wait3A_163 = arith.constant 0 : i32
      %dma_wait3A_164 = arith.constant 0 : i32
      %dma_wait3A_165 = tpu.memref_slice %arg2[%dma_wait3A_163, %dma_wait3A_164] : memref<1064960x16xbf16, #tpu.memory_space<hbm>> -> memref<1064960x16xbf16, #tpu.memory_space<hbm>>
      tpu.wait_indirect_dma semaphore(%arg7 : memref<!tpu.dma_semaphore, #tpu.memory_space<semaphore_mem>>) src(%dma_wait3A_165 : memref<1064960x16xbf16, #tpu.memory_space<hbm>>) dst(%dma_wait3A_159 : memref<128x16xbf16, #tpu.memory_space<vmem>>)
      %dma_wait3A_166 = arith.constant 5 : i32
      %dma_wait3A_167 = arith.constant 5 : i32
      %dma_wait3A_168 = arith.constant 0 : i32
      %dma_wait3A_169 = arith.constant 0 : i32
      %dma_wait3A_170 = tpu.memref_slice %arg6[%dma_wait3A_167, %dma_wait3A_168, %dma_wait3A_169] : memref<8x128x16xbf16, #tpu.memory_space<vmem>> -> memref<1x128x16xbf16, #tpu.memory_space<vmem>>
      %dma_wait3A_171 = tpu.memref_squeeze %dma_wait3A_170 : memref<1x128x16xbf16, #tpu.memory_space<vmem>> -> memref<128x16xbf16, #tpu.memory_space<vmem>>
      %dma_wait3A_172 = arith.constant 0 : i32
      %dma_wait3A_173 = tpu.memref_slice %arg5[%dma_wait3A_166, %dma_wait3A_172] : memref<8x128xi32, #tpu.memory_space<vmem>> -> memref<1x128xi32, #tpu.memory_space<vmem>>
      %dma_wait3A_174 = tpu.memref_squeeze %dma_wait3A_173 : memref<1x128xi32, #tpu.memory_space<vmem>> -> memref<128xi32, #tpu.memory_space<vmem>>
      %dma_wait3A_175 = arith.constant 0 : i32
      %dma_wait3A_176 = arith.constant 0 : i32
      %dma_wait3A_177 = tpu.memref_slice %arg2[%dma_wait3A_175, %dma_wait3A_176] : memref<1064960x16xbf16, #tpu.memory_space<hbm>> -> memref<1064960x16xbf16, #tpu.memory_space<hbm>>
      tpu.wait_indirect_dma semaphore(%arg7 : memref<!tpu.dma_semaphore, #tpu.memory_space<semaphore_mem>>) src(%dma_wait3A_177 : memref<1064960x16xbf16, #tpu.memory_space<hbm>>) dst(%dma_wait3A_171 : memref<128x16xbf16, #tpu.memory_space<vmem>>)
      %dma_wait3A_178 = arith.constant 6 : i32
      %dma_wait3A_179 = arith.constant 6 : i32
      %dma_wait3A_180 = arith.constant 0 : i32
      %dma_wait3A_181 = arith.constant 0 : i32
      %dma_wait3A_182 = tpu.memref_slice %arg6[%dma_wait3A_179, %dma_wait3A_180, %dma_wait3A_181] : memref<8x128x16xbf16, #tpu.memory_space<vmem>> -> memref<1x128x16xbf16, #tpu.memory_space<vmem>>
      %dma_wait3A_183 = tpu.memref_squeeze %dma_wait3A_182 : memref<1x128x16xbf16, #tpu.memory_space<vmem>> -> memref<128x16xbf16, #tpu.memory_space<vmem>>
      %dma_wait3A_184 = arith.constant 0 : i32
      %dma_wait3A_185 = tpu.memref_slice %arg5[%dma_wait3A_178, %dma_wait3A_184] : memref<8x128xi32, #tpu.memory_space<vmem>> -> memref<1x128xi32, #tpu.memory_space<vmem>>
      %dma_wait3A_186 = tpu.memref_squeeze %dma_wait3A_185 : memref<1x128xi32, #tpu.memory_space<vmem>> -> memref<128xi32, #tpu.memory_space<vmem>>
      %dma_wait3A_187 = arith.constant 0 : i32
      %dma_wait3A_188 = arith.constant 0 : i32
      %dma_wait3A_189 = tpu.memref_slice %arg2[%dma_wait3A_187, %dma_wait3A_188] : memref<1064960x16xbf16, #tpu.memory_space<hbm>> -> memref<1064960x16xbf16, #tpu.memory_space<hbm>>
      tpu.wait_indirect_dma semaphore(%arg7 : memref<!tpu.dma_semaphore, #tpu.memory_space<semaphore_mem>>) src(%dma_wait3A_189 : memref<1064960x16xbf16, #tpu.memory_space<hbm>>) dst(%dma_wait3A_183 : memref<128x16xbf16, #tpu.memory_space<vmem>>)
      %dma_wait3A_190 = arith.constant 7 : i32
      %dma_wait3A_191 = arith.constant 7 : i32
      %dma_wait3A_192 = arith.constant 0 : i32
      %dma_wait3A_193 = arith.constant 0 : i32
      %dma_wait3A_194 = tpu.memref_slice %arg6[%dma_wait3A_191, %dma_wait3A_192, %dma_wait3A_193] : memref<8x128x16xbf16, #tpu.memory_space<vmem>> -> memref<1x128x16xbf16, #tpu.memory_space<vmem>>
      %dma_wait3A_195 = tpu.memref_squeeze %dma_wait3A_194 : memref<1x128x16xbf16, #tpu.memory_space<vmem>> -> memref<128x16xbf16, #tpu.memory_space<vmem>>
      %dma_wait3A_196 = arith.constant 0 : i32
      %dma_wait3A_197 = tpu.memref_slice %arg5[%dma_wait3A_190, %dma_wait3A_196] : memref<8x128xi32, #tpu.memory_space<vmem>> -> memref<1x128xi32, #tpu.memory_space<vmem>>
      %dma_wait3A_198 = tpu.memref_squeeze %dma_wait3A_197 : memref<1x128xi32, #tpu.memory_space<vmem>> -> memref<128xi32, #tpu.memory_space<vmem>>
      %dma_wait3A_199 = arith.constant 0 : i32
      %dma_wait3A_200 = arith.constant 0 : i32
      %dma_wait3A_201 = tpu.memref_slice %arg2[%dma_wait3A_199, %dma_wait3A_200] : memref<1064960x16xbf16, #tpu.memory_space<hbm>> -> memref<1064960x16xbf16, #tpu.memory_space<hbm>>
      tpu.wait_indirect_dma semaphore(%arg7 : memref<!tpu.dma_semaphore, #tpu.memory_space<semaphore_mem>>) src(%dma_wait3A_201 : memref<1064960x16xbf16, #tpu.memory_space<hbm>>) dst(%dma_wait3A_195 : memref<128x16xbf16, #tpu.memory_space<vmem>>)
      "tpu.region"() ({
        %run_scoped3A = tpu.sem_alloc : memref<!tpu.dma_semaphore, #tpu.memory_space<semaphore_mem>>
        %dma_start3A_202 = arith.constant 0 : i32
        %dma_start3A_203 = arith.constant 0 : i32
        %dma_start3A_204 = tpu.memref_slice %arg4[%add3A_11, %dma_start3A_202, %dma_start3A_203] : memref<1280x128x16xbf16, #tpu.memory_space<hbm>> -> memref<8x128x16xbf16, #tpu.memory_space<hbm>>
        %dma_start3A_205 = arith.constant 0 : i32
        %dma_start3A_206 = arith.constant 0 : i32
        %dma_start3A_207 = tpu.memref_slice %arg4[%add3A_11, %dma_start3A_205, %dma_start3A_206] : memref<1280x128x16xbf16, #tpu.memory_space<hbm>> -> memref<8x128x16xbf16, #tpu.memory_space<hbm>>
        tpu.enqueue_dma source(%arg6 : memref<8x128x16xbf16, #tpu.memory_space<vmem>>) target(%dma_start3A_207 : memref<8x128x16xbf16, #tpu.memory_space<hbm>>) target_semaphore(%run_scoped3A : memref<!tpu.dma_semaphore, #tpu.memory_space<semaphore_mem>>)
        %dma_wait3A_208 = arith.constant 0 : i32
        %dma_wait3A_209 = arith.constant 0 : i32
        %dma_wait3A_210 = tpu.memref_slice %arg4[%add3A_11, %dma_wait3A_208, %dma_wait3A_209] : memref<1280x128x16xbf16, #tpu.memory_space<hbm>> -> memref<8x128x16xbf16, #tpu.memory_space<hbm>>
        %dma_wait3A_211 = arith.constant 0 : i32
        %dma_wait3A_212 = arith.constant 0 : i32
        %dma_wait3A_213 = tpu.memref_slice %arg4[%add3A_11, %dma_wait3A_211, %dma_wait3A_212] : memref<1280x128x16xbf16, #tpu.memory_space<hbm>> -> memref<8x128x16xbf16, #tpu.memory_space<hbm>>
        tpu.wait_dma2 semaphore(%run_scoped3A : memref<!tpu.dma_semaphore, #tpu.memory_space<semaphore_mem>>) src(%arg6 : memref<8x128x16xbf16, #tpu.memory_space<vmem>>) dst(%dma_wait3A_213 : memref<8x128x16xbf16, #tpu.memory_space<hbm>>)
        tpu.yield
      }) : () -> ()
    }
    %scan3A_7 = arith.constant 5 : i32
    return
  }
}

module attributes {stable_mosaic.version = 14 : i64} {
  func.func @_transform_body(%arg0: i32, %arg1: i32, %arg2: memref<1x16x8192xf32, #tpu.memory_space<vmem>>, %arg3: memref<8x16x128xbf16, #tpu.memory_space<vmem>>, %arg4: memref<1x1024x128xbf16, #tpu.memory_space<vmem>>) attributes {dimension_semantics = [#tpu.dimension_semantics<arbitrary>, #tpu.dimension_semantics<arbitrary>], iteration_bounds = array<i64: 10, 13>, scalar_prefetch = 0 : i64, scratch_operands = 0 : i64, tpu.core_type = #tpu.core_type<tc>, window_params = [{transform_indices = @transform_0, window_bounds = array<i64: 1, 16, 8192>}, {pipeline_mode = #tpu.pipeline_mode<synchronous>, transform_indices = @transform_1, window_bounds = array<i64: 8, 16, 128>}, {transform_indices = @transform_2, window_bounds = array<i64: 1, 1024, 128>}]} {
    %get3A = arith.constant 0 : index
    %get3A_0 = arith.constant 0 : index
    %get3A_1 = arith.constant 0 : index
    %get3A_2 = vector.load %arg2[%get3A, %get3A_0, %get3A_1] : memref<1x16x8192xf32, #tpu.memory_space<vmem>>, vector<1x16x8192xf32>
    %get3A_3 = vector.shape_cast %get3A_2 : vector<1x16x8192xf32> to vector<16x8192xf32>
    %convert_element_type3A = arith.truncf %get3A_3 : vector<16x8192xf32> to vector<16x8192xbf16>
    %slice3A = vector.extract_strided_slice %convert_element_type3A {offsets = [0, 0], sizes = [16, 1024], strides = [1, 1]} : vector<16x8192xbf16> to vector<16x1024xbf16>
    %get3A_4 = arith.constant 0 : index
    %get3A_5 = arith.constant 0 : index
    %get3A_6 = arith.constant 0 : index
    %get3A_7 = vector.load %arg3[%get3A_4, %get3A_5, %get3A_6] : memref<8x16x128xbf16, #tpu.memory_space<vmem>>, vector<1x16x128xbf16>
    %get3A_8 = vector.shape_cast %get3A_7 : vector<1x16x128xbf16> to vector<16x128xbf16>
    %dot_general3A = arith.constant dense<0.000000e+00> : vector<1024x128xf32>
    %dot_general3A_9 = tpu.matmul %slice3A, %get3A_8, %dot_general3A {dimension_numbers = #tpu.dot_dimension_numbers<[0], [0], [1], [1], [0, 1, 1, 1], [], []>, transpose_lhs_hint = false} : vector<16x1024xbf16>, vector<16x128xbf16>, vector<1024x128xf32> -> vector<1024x128xf32>
    %slice3A_10 = vector.extract_strided_slice %convert_element_type3A {offsets = [0, 1024], sizes = [16, 1024], strides = [1, 1]} : vector<16x8192xbf16> to vector<16x1024xbf16>
    %get3A_11 = arith.constant 1 : index
    %get3A_12 = arith.constant 0 : index
    %get3A_13 = arith.constant 0 : index
    %get3A_14 = vector.load %arg3[%get3A_11, %get3A_12, %get3A_13] : memref<8x16x128xbf16, #tpu.memory_space<vmem>>, vector<1x16x128xbf16>
    %get3A_15 = vector.shape_cast %get3A_14 : vector<1x16x128xbf16> to vector<16x128xbf16>
    %dot_general3A_16 = arith.constant dense<0.000000e+00> : vector<1024x128xf32>
    %dot_general3A_17 = tpu.matmul %slice3A_10, %get3A_15, %dot_general3A_16 {dimension_numbers = #tpu.dot_dimension_numbers<[0], [0], [1], [1], [0, 1, 1, 1], [], []>, transpose_lhs_hint = false} : vector<16x1024xbf16>, vector<16x128xbf16>, vector<1024x128xf32> -> vector<1024x128xf32>
    %slice3A_18 = vector.extract_strided_slice %convert_element_type3A {offsets = [0, 2048], sizes = [16, 1024], strides = [1, 1]} : vector<16x8192xbf16> to vector<16x1024xbf16>
    %get3A_19 = arith.constant 2 : index
    %get3A_20 = arith.constant 0 : index
    %get3A_21 = arith.constant 0 : index
    %get3A_22 = vector.load %arg3[%get3A_19, %get3A_20, %get3A_21] : memref<8x16x128xbf16, #tpu.memory_space<vmem>>, vector<1x16x128xbf16>
    %get3A_23 = vector.shape_cast %get3A_22 : vector<1x16x128xbf16> to vector<16x128xbf16>
    %dot_general3A_24 = arith.constant dense<0.000000e+00> : vector<1024x128xf32>
    %dot_general3A_25 = tpu.matmul %slice3A_18, %get3A_23, %dot_general3A_24 {dimension_numbers = #tpu.dot_dimension_numbers<[0], [0], [1], [1], [0, 1, 1, 1], [], []>, transpose_lhs_hint = false} : vector<16x1024xbf16>, vector<16x128xbf16>, vector<1024x128xf32> -> vector<1024x128xf32>
    %slice3A_26 = vector.extract_strided_slice %convert_element_type3A {offsets = [0, 3072], sizes = [16, 1024], strides = [1, 1]} : vector<16x8192xbf16> to vector<16x1024xbf16>
    %get3A_27 = arith.constant 3 : index
    %get3A_28 = arith.constant 0 : index
    %get3A_29 = arith.constant 0 : index
    %get3A_30 = vector.load %arg3[%get3A_27, %get3A_28, %get3A_29] : memref<8x16x128xbf16, #tpu.memory_space<vmem>>, vector<1x16x128xbf16>
    %get3A_31 = vector.shape_cast %get3A_30 : vector<1x16x128xbf16> to vector<16x128xbf16>
    %dot_general3A_32 = arith.constant dense<0.000000e+00> : vector<1024x128xf32>
    %dot_general3A_33 = tpu.matmul %slice3A_26, %get3A_31, %dot_general3A_32 {dimension_numbers = #tpu.dot_dimension_numbers<[0], [0], [1], [1], [0, 1, 1, 1], [], []>, transpose_lhs_hint = false} : vector<16x1024xbf16>, vector<16x128xbf16>, vector<1024x128xf32> -> vector<1024x128xf32>
    %slice3A_34 = vector.extract_strided_slice %convert_element_type3A {offsets = [0, 4096], sizes = [16, 1024], strides = [1, 1]} : vector<16x8192xbf16> to vector<16x1024xbf16>
    %get3A_35 = arith.constant 4 : index
    %get3A_36 = arith.constant 0 : index
    %get3A_37 = arith.constant 0 : index
    %get3A_38 = vector.load %arg3[%get3A_35, %get3A_36, %get3A_37] : memref<8x16x128xbf16, #tpu.memory_space<vmem>>, vector<1x16x128xbf16>
    %get3A_39 = vector.shape_cast %get3A_38 : vector<1x16x128xbf16> to vector<16x128xbf16>
    %dot_general3A_40 = arith.constant dense<0.000000e+00> : vector<1024x128xf32>
    %dot_general3A_41 = tpu.matmul %slice3A_34, %get3A_39, %dot_general3A_40 {dimension_numbers = #tpu.dot_dimension_numbers<[0], [0], [1], [1], [0, 1, 1, 1], [], []>, transpose_lhs_hint = false} : vector<16x1024xbf16>, vector<16x128xbf16>, vector<1024x128xf32> -> vector<1024x128xf32>
    %slice3A_42 = vector.extract_strided_slice %convert_element_type3A {offsets = [0, 5120], sizes = [16, 1024], strides = [1, 1]} : vector<16x8192xbf16> to vector<16x1024xbf16>
    %get3A_43 = arith.constant 5 : index
    %get3A_44 = arith.constant 0 : index
    %get3A_45 = arith.constant 0 : index
    %get3A_46 = vector.load %arg3[%get3A_43, %get3A_44, %get3A_45] : memref<8x16x128xbf16, #tpu.memory_space<vmem>>, vector<1x16x128xbf16>
    %get3A_47 = vector.shape_cast %get3A_46 : vector<1x16x128xbf16> to vector<16x128xbf16>
    %dot_general3A_48 = arith.constant dense<0.000000e+00> : vector<1024x128xf32>
    %dot_general3A_49 = tpu.matmul %slice3A_42, %get3A_47, %dot_general3A_48 {dimension_numbers = #tpu.dot_dimension_numbers<[0], [0], [1], [1], [0, 1, 1, 1], [], []>, transpose_lhs_hint = false} : vector<16x1024xbf16>, vector<16x128xbf16>, vector<1024x128xf32> -> vector<1024x128xf32>
    %slice3A_50 = vector.extract_strided_slice %convert_element_type3A {offsets = [0, 6144], sizes = [16, 1024], strides = [1, 1]} : vector<16x8192xbf16> to vector<16x1024xbf16>
    %get3A_51 = arith.constant 6 : index
    %get3A_52 = arith.constant 0 : index
    %get3A_53 = arith.constant 0 : index
    %get3A_54 = vector.load %arg3[%get3A_51, %get3A_52, %get3A_53] : memref<8x16x128xbf16, #tpu.memory_space<vmem>>, vector<1x16x128xbf16>
    %get3A_55 = vector.shape_cast %get3A_54 : vector<1x16x128xbf16> to vector<16x128xbf16>
    %dot_general3A_56 = arith.constant dense<0.000000e+00> : vector<1024x128xf32>
    %dot_general3A_57 = tpu.matmul %slice3A_50, %get3A_55, %dot_general3A_56 {dimension_numbers = #tpu.dot_dimension_numbers<[0], [0], [1], [1], [0, 1, 1, 1], [], []>, transpose_lhs_hint = false} : vector<16x1024xbf16>, vector<16x128xbf16>, vector<1024x128xf32> -> vector<1024x128xf32>
    %slice3A_58 = vector.extract_strided_slice %convert_element_type3A {offsets = [0, 7168], sizes = [16, 1024], strides = [1, 1]} : vector<16x8192xbf16> to vector<16x1024xbf16>
    %get3A_59 = arith.constant 7 : index
    %get3A_60 = arith.constant 0 : index
    %get3A_61 = arith.constant 0 : index
    %get3A_62 = vector.load %arg3[%get3A_59, %get3A_60, %get3A_61] : memref<8x16x128xbf16, #tpu.memory_space<vmem>>, vector<1x16x128xbf16>
    %get3A_63 = vector.shape_cast %get3A_62 : vector<1x16x128xbf16> to vector<16x128xbf16>
    %dot_general3A_64 = arith.constant dense<0.000000e+00> : vector<1024x128xf32>
    %dot_general3A_65 = tpu.matmul %slice3A_58, %get3A_63, %dot_general3A_64 {dimension_numbers = #tpu.dot_dimension_numbers<[0], [0], [1], [1], [0, 1, 1, 1], [], []>, transpose_lhs_hint = false} : vector<16x1024xbf16>, vector<16x128xbf16>, vector<1024x128xf32> -> vector<1024x128xf32>
    %add3A = arith.addf %dot_general3A_9, %dot_general3A_17 : vector<1024x128xf32>
    %add3A_66 = arith.addf %dot_general3A_25, %dot_general3A_33 : vector<1024x128xf32>
    %add3A_67 = arith.addf %dot_general3A_41, %dot_general3A_49 : vector<1024x128xf32>
    %add3A_68 = arith.addf %dot_general3A_57, %dot_general3A_65 : vector<1024x128xf32>
    %add3A_69 = arith.addf %add3A, %add3A_66 : vector<1024x128xf32>
    %add3A_70 = arith.addf %add3A_67, %add3A_68 : vector<1024x128xf32>
    %add3A_71 = arith.addf %add3A_69, %add3A_70 : vector<1024x128xf32>
    %convert_element_type3A_72 = arith.truncf %add3A_71 : vector<1024x128xf32> to vector<1024x128xbf16>
    %swap3A = arith.constant 0 : index
    %swap3A_73 = arith.constant 0 : index
    %swap3A_74 = arith.constant 0 : index
    %swap3A_75 = vector.load %arg4[%swap3A, %swap3A_73, %swap3A_74] : memref<1x1024x128xbf16, #tpu.memory_space<vmem>>, vector<1x1024x128xbf16>
    %swap3A_76 = vector.shape_cast %swap3A_75 : vector<1x1024x128xbf16> to vector<1024x128xbf16>
    %swap3A_77 = vector.shape_cast %convert_element_type3A_72 : vector<1024x128xbf16> to vector<1x1024x128xbf16>
    tpu.vector_store %arg4[%swap3A, %swap3A_73, %swap3A_74], %swap3A_77 {strides = array<i32>} : memref<1x1024x128xbf16, #tpu.memory_space<vmem>>, vector<1x1024x128xbf16>,
    return
  }
  func.func @transform_0(%arg0: i32, %arg1: i32) -> (i32, i32, i32) {
    %add3A = arith.constant 16 : i32
    %add3A_0 = arith.addi %arg0, %add3A : i32
    %c0_i32 = arith.constant 0 : i32
    %c0_i32_1 = arith.constant 0 : i32
    return %add3A_0, %c0_i32, %arg1 : i32, i32, i32
  }
  func.func @transform_1(%arg0: i32, %arg1: i32) -> (i32, i32, i32) {
    %c0_i32 = arith.constant 0 : i32
    %c0_i32_0 = arith.constant 0 : i32
    %c0_i32_1 = arith.constant 0 : i32
    %c0_i32_2 = arith.constant 0 : i32
    return %c0_i32, %c0_i32_0, %c0_i32_1 : i32, i32, i32
  }
  func.func @transform_2(%arg0: i32, %arg1: i32) -> (i32, i32, i32) {
    %c0_i32 = arith.constant 0 : i32
    %c0_i32_0 = arith.constant 0 : i32
    return %arg0, %arg1, %c0_i32 : i32, i32, i32
  }
}

module attributes {stable_mosaic.version = 14 : i64} {
  func.func @_transform_body(%arg0: i32, %arg1: i32, %arg2: memref<1x16x8192xf32, #tpu.memory_space<vmem>>, %arg3: memref<8x16x128xbf16, #tpu.memory_space<vmem>>, %arg4: memref<1x1024x128xbf16, #tpu.memory_space<vmem>>) attributes {dimension_semantics = [#tpu.dimension_semantics<arbitrary>, #tpu.dimension_semantics<arbitrary>], iteration_bounds = array<i64: 16, 13>, scalar_prefetch = 0 : i64, scratch_operands = 0 : i64, tpu.core_type = #tpu.core_type<tc>, window_params = [{transform_indices = @transform_0, window_bounds = array<i64: 1, 16, 8192>}, {pipeline_mode = #tpu.pipeline_mode<synchronous>, transform_indices = @transform_1, window_bounds = array<i64: 8, 16, 128>}, {transform_indices = @transform_2, window_bounds = array<i64: 1, 1024, 128>}]} {
    %get3A = arith.constant 0 : index
    %get3A_0 = arith.constant 0 : index
    %get3A_1 = arith.constant 0 : index
    %get3A_2 = vector.load %arg2[%get3A, %get3A_0, %get3A_1] : memref<1x16x8192xf32, #tpu.memory_space<vmem>>, vector<1x16x8192xf32>
    %get3A_3 = vector.shape_cast %get3A_2 : vector<1x16x8192xf32> to vector<16x8192xf32>
    %convert_element_type3A = arith.truncf %get3A_3 : vector<16x8192xf32> to vector<16x8192xbf16>
    %slice3A = vector.extract_strided_slice %convert_element_type3A {offsets = [0, 0], sizes = [16, 1024], strides = [1, 1]} : vector<16x8192xbf16> to vector<16x1024xbf16>
    %get3A_4 = arith.constant 0 : index
    %get3A_5 = arith.constant 0 : index
    %get3A_6 = arith.constant 0 : index
    %get3A_7 = vector.load %arg3[%get3A_4, %get3A_5, %get3A_6] : memref<8x16x128xbf16, #tpu.memory_space<vmem>>, vector<1x16x128xbf16>
    %get3A_8 = vector.shape_cast %get3A_7 : vector<1x16x128xbf16> to vector<16x128xbf16>
    %dot_general3A = arith.constant dense<0.000000e+00> : vector<1024x128xf32>
    %dot_general3A_9 = tpu.matmul %slice3A, %get3A_8, %dot_general3A {dimension_numbers = #tpu.dot_dimension_numbers<[0], [0], [1], [1], [0, 1, 1, 1], [], []>, transpose_lhs_hint = false} : vector<16x1024xbf16>, vector<16x128xbf16>, vector<1024x128xf32> -> vector<1024x128xf32>
    %slice3A_10 = vector.extract_strided_slice %convert_element_type3A {offsets = [0, 1024], sizes = [16, 1024], strides = [1, 1]} : vector<16x8192xbf16> to vector<16x1024xbf16>
    %get3A_11 = arith.constant 1 : index
    %get3A_12 = arith.constant 0 : index
    %get3A_13 = arith.constant 0 : index
    %get3A_14 = vector.load %arg3[%get3A_11, %get3A_12, %get3A_13] : memref<8x16x128xbf16, #tpu.memory_space<vmem>>, vector<1x16x128xbf16>
    %get3A_15 = vector.shape_cast %get3A_14 : vector<1x16x128xbf16> to vector<16x128xbf16>
    %dot_general3A_16 = arith.constant dense<0.000000e+00> : vector<1024x128xf32>
    %dot_general3A_17 = tpu.matmul %slice3A_10, %get3A_15, %dot_general3A_16 {dimension_numbers = #tpu.dot_dimension_numbers<[0], [0], [1], [1], [0, 1, 1, 1], [], []>, transpose_lhs_hint = false} : vector<16x1024xbf16>, vector<16x128xbf16>, vector<1024x128xf32> -> vector<1024x128xf32>
    %slice3A_18 = vector.extract_strided_slice %convert_element_type3A {offsets = [0, 2048], sizes = [16, 1024], strides = [1, 1]} : vector<16x8192xbf16> to vector<16x1024xbf16>
    %get3A_19 = arith.constant 2 : index
    %get3A_20 = arith.constant 0 : index
    %get3A_21 = arith.constant 0 : index
    %get3A_22 = vector.load %arg3[%get3A_19, %get3A_20, %get3A_21] : memref<8x16x128xbf16, #tpu.memory_space<vmem>>, vector<1x16x128xbf16>
    %get3A_23 = vector.shape_cast %get3A_22 : vector<1x16x128xbf16> to vector<16x128xbf16>
    %dot_general3A_24 = arith.constant dense<0.000000e+00> : vector<1024x128xf32>
    %dot_general3A_25 = tpu.matmul %slice3A_18, %get3A_23, %dot_general3A_24 {dimension_numbers = #tpu.dot_dimension_numbers<[0], [0], [1], [1], [0, 1, 1, 1], [], []>, transpose_lhs_hint = false} : vector<16x1024xbf16>, vector<16x128xbf16>, vector<1024x128xf32> -> vector<1024x128xf32>
    %slice3A_26 = vector.extract_strided_slice %convert_element_type3A {offsets = [0, 3072], sizes = [16, 1024], strides = [1, 1]} : vector<16x8192xbf16> to vector<16x1024xbf16>
    %get3A_27 = arith.constant 3 : index
    %get3A_28 = arith.constant 0 : index
    %get3A_29 = arith.constant 0 : index
    %get3A_30 = vector.load %arg3[%get3A_27, %get3A_28, %get3A_29] : memref<8x16x128xbf16, #tpu.memory_space<vmem>>, vector<1x16x128xbf16>
    %get3A_31 = vector.shape_cast %get3A_30 : vector<1x16x128xbf16> to vector<16x128xbf16>
    %dot_general3A_32 = arith.constant dense<0.000000e+00> : vector<1024x128xf32>
    %dot_general3A_33 = tpu.matmul %slice3A_26, %get3A_31, %dot_general3A_32 {dimension_numbers = #tpu.dot_dimension_numbers<[0], [0], [1], [1], [0, 1, 1, 1], [], []>, transpose_lhs_hint = false} : vector<16x1024xbf16>, vector<16x128xbf16>, vector<1024x128xf32> -> vector<1024x128xf32>
    %slice3A_34 = vector.extract_strided_slice %convert_element_type3A {offsets = [0, 4096], sizes = [16, 1024], strides = [1, 1]} : vector<16x8192xbf16> to vector<16x1024xbf16>
    %get3A_35 = arith.constant 4 : index
    %get3A_36 = arith.constant 0 : index
    %get3A_37 = arith.constant 0 : index
    %get3A_38 = vector.load %arg3[%get3A_35, %get3A_36, %get3A_37] : memref<8x16x128xbf16, #tpu.memory_space<vmem>>, vector<1x16x128xbf16>
    %get3A_39 = vector.shape_cast %get3A_38 : vector<1x16x128xbf16> to vector<16x128xbf16>
    %dot_general3A_40 = arith.constant dense<0.000000e+00> : vector<1024x128xf32>
    %dot_general3A_41 = tpu.matmul %slice3A_34, %get3A_39, %dot_general3A_40 {dimension_numbers = #tpu.dot_dimension_numbers<[0], [0], [1], [1], [0, 1, 1, 1], [], []>, transpose_lhs_hint = false} : vector<16x1024xbf16>, vector<16x128xbf16>, vector<1024x128xf32> -> vector<1024x128xf32>
    %slice3A_42 = vector.extract_strided_slice %convert_element_type3A {offsets = [0, 5120], sizes = [16, 1024], strides = [1, 1]} : vector<16x8192xbf16> to vector<16x1024xbf16>
    %get3A_43 = arith.constant 5 : index
    %get3A_44 = arith.constant 0 : index
    %get3A_45 = arith.constant 0 : index
    %get3A_46 = vector.load %arg3[%get3A_43, %get3A_44, %get3A_45] : memref<8x16x128xbf16, #tpu.memory_space<vmem>>, vector<1x16x128xbf16>
    %get3A_47 = vector.shape_cast %get3A_46 : vector<1x16x128xbf16> to vector<16x128xbf16>
    %dot_general3A_48 = arith.constant dense<0.000000e+00> : vector<1024x128xf32>
    %dot_general3A_49 = tpu.matmul %slice3A_42, %get3A_47, %dot_general3A_48 {dimension_numbers = #tpu.dot_dimension_numbers<[0], [0], [1], [1], [0, 1, 1, 1], [], []>, transpose_lhs_hint = false} : vector<16x1024xbf16>, vector<16x128xbf16>, vector<1024x128xf32> -> vector<1024x128xf32>
    %slice3A_50 = vector.extract_strided_slice %convert_element_type3A {offsets = [0, 6144], sizes = [16, 1024], strides = [1, 1]} : vector<16x8192xbf16> to vector<16x1024xbf16>
    %get3A_51 = arith.constant 6 : index
    %get3A_52 = arith.constant 0 : index
    %get3A_53 = arith.constant 0 : index
    %get3A_54 = vector.load %arg3[%get3A_51, %get3A_52, %get3A_53] : memref<8x16x128xbf16, #tpu.memory_space<vmem>>, vector<1x16x128xbf16>
    %get3A_55 = vector.shape_cast %get3A_54 : vector<1x16x128xbf16> to vector<16x128xbf16>
    %dot_general3A_56 = arith.constant dense<0.000000e+00> : vector<1024x128xf32>
    %dot_general3A_57 = tpu.matmul %slice3A_50, %get3A_55, %dot_general3A_56 {dimension_numbers = #tpu.dot_dimension_numbers<[0], [0], [1], [1], [0, 1, 1, 1], [], []>, transpose_lhs_hint = false} : vector<16x1024xbf16>, vector<16x128xbf16>, vector<1024x128xf32> -> vector<1024x128xf32>
    %slice3A_58 = vector.extract_strided_slice %convert_element_type3A {offsets = [0, 7168], sizes = [16, 1024], strides = [1, 1]} : vector<16x8192xbf16> to vector<16x1024xbf16>
    %get3A_59 = arith.constant 7 : index
    %get3A_60 = arith.constant 0 : index
    %get3A_61 = arith.constant 0 : index
    %get3A_62 = vector.load %arg3[%get3A_59, %get3A_60, %get3A_61] : memref<8x16x128xbf16, #tpu.memory_space<vmem>>, vector<1x16x128xbf16>
    %get3A_63 = vector.shape_cast %get3A_62 : vector<1x16x128xbf16> to vector<16x128xbf16>
    %dot_general3A_64 = arith.constant dense<0.000000e+00> : vector<1024x128xf32>
    %dot_general3A_65 = tpu.matmul %slice3A_58, %get3A_63, %dot_general3A_64 {dimension_numbers = #tpu.dot_dimension_numbers<[0], [0], [1], [1], [0, 1, 1, 1], [], []>, transpose_lhs_hint = false} : vector<16x1024xbf16>, vector<16x128xbf16>, vector<1024x128xf32> -> vector<1024x128xf32>
    %add3A = arith.addf %dot_general3A_9, %dot_general3A_17 : vector<1024x128xf32>
    %add3A_66 = arith.addf %dot_general3A_25, %dot_general3A_33 : vector<1024x128xf32>
    %add3A_67 = arith.addf %dot_general3A_41, %dot_general3A_49 : vector<1024x128xf32>
    %add3A_68 = arith.addf %dot_general3A_57, %dot_general3A_65 : vector<1024x128xf32>
    %add3A_69 = arith.addf %add3A, %add3A_66 : vector<1024x128xf32>
    %add3A_70 = arith.addf %add3A_67, %add3A_68 : vector<1024x128xf32>
    %add3A_71 = arith.addf %add3A_69, %add3A_70 : vector<1024x128xf32>
    %convert_element_type3A_72 = arith.truncf %add3A_71 : vector<1024x128xf32> to vector<1024x128xbf16>
    %swap3A = arith.constant 0 : index
    %swap3A_73 = arith.constant 0 : index
    %swap3A_74 = arith.constant 0 : index
    %swap3A_75 = vector.load %arg4[%swap3A, %swap3A_73, %swap3A_74] : memref<1x1024x128xbf16, #tpu.memory_space<vmem>>, vector<1x1024x128xbf16>
    %swap3A_76 = vector.shape_cast %swap3A_75 : vector<1x1024x128xbf16> to vector<1024x128xbf16>
    %swap3A_77 = vector.shape_cast %convert_element_type3A_72 : vector<1024x128xbf16> to vector<1x1024x128xbf16>
    tpu.vector_store %arg4[%swap3A, %swap3A_73, %swap3A_74], %swap3A_77 {strides = array<i32>} : memref<1x1024x128xbf16, #tpu.memory_space<vmem>>, vector<1x1024x128xbf16>,
    return
  }
  func.func @transform_0(%arg0: i32, %arg1: i32) -> (i32, i32, i32) {
    %add3A = arith.constant 0 : i32
    %add3A_0 = arith.addi %arg0, %add3A : i32
    %c0_i32 = arith.constant 0 : i32
    %c0_i32_1 = arith.constant 0 : i32
    return %add3A_0, %c0_i32, %arg1 : i32, i32, i32
  }
  func.func @transform_1(%arg0: i32, %arg1: i32) -> (i32, i32, i32) {
    %c0_i32 = arith.constant 0 : i32
    %c0_i32_0 = arith.constant 0 : i32
    %c0_i32_1 = arith.constant 0 : i32
    %c0_i32_2 = arith.constant 0 : i32
    return %c0_i32, %c0_i32_0, %c0_i32_1 : i32, i32, i32
  }
  func.func @transform_2(%arg0: i32, %arg1: i32) -> (i32, i32, i32) {
    %c0_i32 = arith.constant 0 : i32
    %c0_i32_0 = arith.constant 0 : i32
    return %arg0, %arg1, %c0_i32 : i32, i32, i32
  }
}

module attributes {stable_mosaic.version = 14 : i64} {
  func.func @_tc_body(%arg0: i32, %arg1: memref<1024x13xf32, #tpu.memory_space<vmem>>, %arg2: memref<1024x256xbf16, #tpu.memory_space<vmem>>, %arg3: memref<1024x160xbf16, #tpu.memory_space<vmem>>, %arg4: memref<13x640xf32, #tpu.memory_space<vmem>>, %arg5: memref<256x640xbf16, #tpu.memory_space<vmem>>, %arg6: memref<160x640xbf16, #tpu.memory_space<vmem>>, %arg7: memref<640xf32, #tpu.memory_space<vmem>>, %arg8: memref<1024x640xf32, #tpu.memory_space<vmem>>) attributes {dimension_semantics = [#tpu.dimension_semantics<arbitrary>], iteration_bounds = array<i64: 16>, scalar_prefetch = 0 : i64, scratch_operands = 0 : i64, tpu.core_type = #tpu.core_type<tc>, window_params = [{transform_indices = @transform_0, window_bounds = array<i64: 1024, 13>}, {transform_indices = @transform_1, window_bounds = array<i64: 1024, 256>}, {transform_indices = @transform_2, window_bounds = array<i64: 1024, 160>}, {pipeline_mode = #tpu.pipeline_mode<synchronous>, transform_indices = @transform_3, window_bounds = array<i64: 13, 640>}, {pipeline_mode = #tpu.pipeline_mode<synchronous>, transform_indices = @transform_4, window_bounds = array<i64: 256, 640>}, {pipeline_mode = #tpu.pipeline_mode<synchronous>, transform_indices = @transform_5, window_bounds = array<i64: 160, 640>}, {pipeline_mode = #tpu.pipeline_mode<synchronous>, transform_indices = @transform_6, window_bounds = array<i64: 640>}, {transform_indices = @transform_7, window_bounds = array<i64: 1024, 640>}]} {
    %get3A = arith.constant 0 : index
    %get3A_0 = arith.constant 0 : index
    %get3A_1 = vector.load %arg1[%get3A, %get3A_0] : memref<1024x13xf32, #tpu.memory_space<vmem>>, vector<1024x13xf32>
    %get3A_2 = arith.constant 0 : index
    %get3A_3 = arith.constant 0 : index
    %get3A_4 = vector.load %arg4[%get3A_2, %get3A_3] : memref<13x640xf32, #tpu.memory_space<vmem>>, vector<13x640xf32>
    %dot_general3A = arith.constant dense<0.000000e+00> : vector<1024x640xf32>
    %dot_general3A_5 = tpu.matmul %get3A_1, %get3A_4, %dot_general3A {dimension_numbers = #tpu.dot_dimension_numbers<[1], [0], [0], [1], [0, 0, 1, 1], [], []>, transpose_lhs_hint = false} : vector<1024x13xf32>, vector<13x640xf32>, vector<1024x640xf32> -> vector<1024x640xf32>
    %get3A_6 = arith.constant 0 : index
    %get3A_7 = arith.constant 0 : index
    %get3A_8 = vector.load %arg2[%get3A_6, %get3A_7] : memref<1024x256xbf16, #tpu.memory_space<vmem>>, vector<1024x256xbf16>
    %get3A_9 = arith.constant 0 : index
    %get3A_10 = arith.constant 0 : index
    %get3A_11 = vector.load %arg5[%get3A_9, %get3A_10] : memref<256x640xbf16, #tpu.memory_space<vmem>>, vector<256x640xbf16>
    %dot_general3A_12 = arith.constant dense<0.000000e+00> : vector<1024x640xf32>
    %dot_general3A_13 = tpu.matmul %get3A_8, %get3A_11, %dot_general3A_12 {dimension_numbers = #tpu.dot_dimension_numbers<[1], [0], [0], [1], [0, 0, 1, 1], [], []>, transpose_lhs_hint = false} : vector<1024x256xbf16>, vector<256x640xbf16>, vector<1024x640xf32> -> vector<1024x640xf32>
    %add3A = arith.addf %dot_general3A_5, %dot_general3A_13 : vector<1024x640xf32>
    %get3A_14 = arith.constant 0 : index
    %get3A_15 = arith.constant 0 : index
    %get3A_16 = vector.load %arg3[%get3A_14, %get3A_15] : memref<1024x160xbf16, #tpu.memory_space<vmem>>, vector<1024x160xbf16>
    %get3A_17 = arith.constant 0 : index
    %get3A_18 = arith.constant 0 : index
    %get3A_19 = vector.load %arg6[%get3A_17, %get3A_18] : memref<160x640xbf16, #tpu.memory_space<vmem>>, vector<160x640xbf16>
    %dot_general3A_20 = arith.constant dense<0.000000e+00> : vector<1024x640xf32>
    %dot_general3A_21 = tpu.matmul %get3A_16, %get3A_19, %dot_general3A_20 {dimension_numbers = #tpu.dot_dimension_numbers<[1], [0], [0], [1], [0, 0, 1, 1], [], []>, transpose_lhs_hint = false} : vector<1024x160xbf16>, vector<160x640xbf16>, vector<1024x640xf32> -> vector<1024x640xf32>
    %add3A_22 = arith.addf %add3A, %dot_general3A_21 : vector<1024x640xf32>
    %get3A_23 = arith.constant 0 : index
    %get3A_24 = vector.load %arg7[%get3A_23] : memref<640xf32, #tpu.memory_space<vmem>>, vector<640xf32>
    %broadcast_in_dim3A = vector.shape_cast %get3A_24 : vector<640xf32> to vector<1x640xf32>
    %add3A_25 = vector.broadcast %broadcast_in_dim3A : vector<1x640xf32> to vector<1024x640xf32>
    %add3A_26 = arith.addf %add3A_22, %add3A_25 : vector<1024x640xf32>
    %swap3A = arith.constant 0 : index
    %swap3A_27 = arith.constant 0 : index
    %swap3A_28 = vector.load %arg8[%swap3A, %swap3A_27] : memref<1024x640xf32, #tpu.memory_space<vmem>>, vector<1024x640xf32>
    tpu.vector_store %arg8[%swap3A, %swap3A_27], %add3A_26 {strides = array<i32>} : memref<1024x640xf32, #tpu.memory_space<vmem>>, vector<1024x640xf32>,
    return
  }
  func.func @transform_0(%arg0: i32) -> (i32, i32) {
    %c0_i32 = arith.constant 0 : i32
    %c0_i32_0 = arith.constant 0 : i32
    return %arg0, %c0_i32 : i32, i32
  }
  func.func @transform_1(%arg0: i32) -> (i32, i32) {
    %c0_i32 = arith.constant 0 : i32
    %c0_i32_0 = arith.constant 0 : i32
    return %arg0, %c0_i32 : i32, i32
  }
  func.func @transform_2(%arg0: i32) -> (i32, i32) {
    %c0_i32 = arith.constant 0 : i32
    %c0_i32_0 = arith.constant 0 : i32
    return %arg0, %c0_i32 : i32, i32
  }
  func.func @transform_3(%arg0: i32) -> (i32, i32) {
    %c0_i32 = arith.constant 0 : i32
    %c0_i32_0 = arith.constant 0 : i32
    %c0_i32_1 = arith.constant 0 : i32
    return %c0_i32, %c0_i32_0 : i32, i32
  }
  func.func @transform_4(%arg0: i32) -> (i32, i32) {
    %c0_i32 = arith.constant 0 : i32
    %c0_i32_0 = arith.constant 0 : i32
    %c0_i32_1 = arith.constant 0 : i32
    return %c0_i32, %c0_i32_0 : i32, i32
  }
  func.func @transform_5(%arg0: i32) -> (i32, i32) {
    %c0_i32 = arith.constant 0 : i32
    %c0_i32_0 = arith.constant 0 : i32
    %c0_i32_1 = arith.constant 0 : i32
    return %c0_i32, %c0_i32_0 : i32, i32
  }
  func.func @transform_6(%arg0: i32) -> i32 {
    %c0_i32 = arith.constant 0 : i32
    %c0_i32_0 = arith.constant 0 : i32
    return %c0_i32 : i32
  }
  func.func @transform_7(%arg0: i32) -> (i32, i32) {
    %c0_i32 = arith.constant 0 : i32
    %c0_i32_0 = arith.constant 0 : i32
    return %arg0, %c0_i32 : i32, i32
  }
}

</mosaic_0001>

<sc_bundles>
// kernel: kernel.10.cloned.1.call-start
scs
__scs_entry_jumppad:
0x0: {  	(pc) =	sbr.rel $0x88, $3  }
0x1: {  	(tag) =	ssettag $0x0;
	lr =	simm.s32 $0x1  }
0x2: {  	[smem:$0x3F98] =	sst lr;
	_ =	strace $0xD0000000  }
0x3: {  	_ = 	snop  }
0x4: {  	_ = 	snop  }
0x5: {  	_ = 	snop  }
0x6: {  	_ = 	snop  }
0x7: {  	_ = 	snop  }
__scs_overlays_trampoline_lowered:
0x8: {  	[smem:$0x3FA7] =	sst s0  }
0x9: {  	[smem:$0x3FA8] =	sst s1  }
0xa: {  	[smem:$0x3FA9] =	sst s2  }
0xb: {  	[smem:$0x3FAA] =	sst s3  }
0xc: {  	[smem:$0x3FAB] =	sst s4  }
0xd: {  	[smem:$0x3FAC] =	sst s5  }
0xe: {  	[smem:$0x3FAD] =	sst s6  }
0xf: {  	[smem:$0x3FAE] =	sst s7  }
0x10: {  	[smem:$0x3FAF] =	sst s8  }
0x11: {  	[smem:$0x3FB0] =	sst s9;
	s0 =	simm.s32 @!p0 $0x0  }
0x12: {  	s1 =	sld [smem:$0x3F96];
	s0 =	simm.s32 @p0 $0x1  }
0x13: {  	[smem:$0x3FB1] =	sst s0;
	s0 =	simm.s32 @!p1 $0x0  }
0x14: {  	s2 =	sld [smem:$0x3F95];
	s0 =	simm.s32 @p1 $0x1  }
0x15: {  	[smem:$0x3FB2] =	sst s0;
	s0 =	simm.s32 @!p2 $0x0  }
0x16: {  	s3 =	sld [smem:$0x3FDB];
	s0 =	simm.s32 @p2 $0x1  }
0x17: {  	s4 =	simm.s32 $0x1BF5;
	[smem:$0x3FB4] =	sst s0  }
0x18: {  	s0 =	sld [smem:$0x3F97];
	_ =	swait.ge [sflag:s4], $0x0  }
0x19: {  	s7 =	sld [smem:$0x3F98]  }
0x1a: {  	s8 =	sadd.s32 $0xFFFFE003, lr  }
0x1b: {  	s9 =	sadd.s32 $0xFFFFFEF7, lr;
	s5 =	simm.s32 $0xFFFFFFFF;
	p2 =	slt.u32 s8, $0xFFFFF086  }
0x1c: {  	p1 =	slt.u32 s9, $0xF7A;
	s5 =	simm.s32 @!p2 $0x0  }
0x1d: {  	s5 =	simm.s32 @p1 $0x1;
	p0 =	seq.s32 s7, s2  }
0x1e: {  	s7 =	smul.u32 @!p0 $0xF7A, s2;
	p2 =	seq.s32 @!p0 s5, $0x0  }
0x1f: {  	s9 =	smul.u32 $0xF7A, s1;
	s8 =	simm.s32 @!p0 $0x1BF5;
	p2 =	por !p2, p0  }
0x20: {  	[sflag:s8] =	ssyncset.s32 @!p0 $0xFFFFF086;
	s6 =	sadd.s32 @!p0 s3, s7;
	s7 =	simm.s32 @!p0 $0x108  }
0x21: {  	s3 =	sadd.s32 s3, s9;
	s6 =	sadd.s32 @!p0 $0x88, s6;
	s7 =	simm.s32 @p2 $0x1082  }
0x22: {  	[simem:s7], [sflag:s8] =	dma.local @!p0 [hbm:s6], $0xF7A  }
0x23: {  	s9 =	sor.u32 $0xD0000000, s2;
	s6 =	simm.s32 $0x108;
	_ =	swait.ge @!p0 [sflag:s8], $0x0  }
0x24: {  	s3 =	sadd.s32 $0x88, s3;
	s6 =	simm.s32 @!p1 $0x1082;
	[sflag:s4] =	ssyncset.s32 $0xFFFFF086  }
0x25: {  	[simem:s6], [sflag:s4] =	dma.local [hbm:s3], $0xF7A  }
0x26: {  	[smem:$0x3F98] =	sst s1;
	(tag) =	ssettag s2;
	_ =	strace s9  }
0x27: {  	s1 =	sld [smem:$0x3FA8]  }
0x28: {  	s2 =	sld [smem:$0x3FA9]  }
0x29: {  	s4 =	sld [smem:$0x3FAB]  }
0x2a: {  	p0 =	seq.s32 s5, $0x0;
	s5 =	sld [smem:$0x3FAC]  }
0x2b: {  	s6 =	sld [smem:$0x3FAD]  }
0x2c: {  	s7 =	sld [smem:$0x3FAE]  }
0x2d: {  	s3 =	simm.s32 $0x108;
	s8 =	sld [smem:$0x3FAF]  }
0x2e: {  	s3 =	simm.s32 @!p0 $0x1082;
	s9 =	sld [smem:$0x3FB0]  }
0x2f: {  	lr =	sadd.s32 s0, s3;
	s0 =	sld [smem:$0x3FA7]  }
0x30: {  	s3 =	sld [smem:$0x3FAA]  }
0x31: {  	[smem:$0x3FB3] =	sst s10  }
0x32: {  	s10 =	sld [smem:$0x3FB1];
	_ =	sdelay $0x3  }
0x33: {  	p0 =	seq.s32 s10, $0x1;
	s10 =	sld [smem:$0x3FB3];
	_ =	sdelay $0x3  }
0x34: {  	[smem:$0x3FB3] =	sst s10  }
0x35: {  	s10 =	sld [smem:$0x3FB2];
	_ =	sdelay $0x3  }
0x36: {  	p1 =	seq.s32 s10, $0x1;
	s10 =	sld [smem:$0x3FB3];
	_ =	sdelay $0x3  }
0x37: {  	[smem:$0x3FB3] =	sst s10  }
0x38: {  	s10 =	sld [smem:$0x3FB4]  }
0x39: {  	_ = 	snop;
	(pc) =	sbr.ind lr, $3  }
0x3a: {  	_ = 	snop  }
0x3b: {  	_ = 	snop  }
0x3c: {  	p2 =	seq.s32 s10, $0x1;
	s10 =	sld [smem:$0x3FB3]  }
0x3d: {  	_ =	shalt  }
0x3e: {  	_ =	shalt  }
0x3f: {  	_ =	shalt  }
0x40: {  	_ =	shalt  }
0x41: {  	_ =	shalt  }
0x42: {  	_ =	shalt  }
0x43: {  	_ =	shalt  }
0x44: {  	_ =	shalt  }
0x45: {  	_ =	shalt  }
0x46: {  	_ =	shalt  }
0x47: {  	_ =	shalt  }
0x48: {  	_ =	shalt  }
0x49: {  	_ =	shalt  }
0x4a: {  	_ =	shalt  }
0x4b: {  	_ =	shalt  }
0x4c: {  	_ =	shalt  }
0x4d: {  	_ =	shalt  }
0x4e: {  	_ =	shalt  }
0x4f: {  	_ =	shalt  }
0x50: {  	_ =	shalt  }
0x51: {  	_ =	shalt  }
0x52: {  	_ =	shalt  }
0x53: {  	_ =	shalt  }
0x54: {  	_ =	shalt  }
0x55: {  	_ =	shalt  }
0x56: {  	_ =	shalt  }
0x57: {  	_ =	shalt  }
0x58: {  	_ =	shalt  }
0x59: {  	_ =	shalt  }
0x5a: {  	_ =	shalt  }
0x5b: {  	_ =	shalt  }
0x5c: {  	_ =	shalt  }
0x5d: {  	_ =	shalt  }
0x5e: {  	_ =	shalt  }
0x5f: {  	_ =	shalt  }
0x60: {  	_ =	shalt  }
0x61: {  	_ =	shalt  }
0x62: {  	_ =	shalt  }
0x63: {  	_ =	shalt  }
0x64: {  	_ =	shalt  }
0x65: {  	_ =	shalt  }
0x66: {  	_ =	shalt  }
0x67: {  	_ =	shalt  }
0x68: {  	_ =	shalt  }
0x69: {  	_ =	shalt  }
0x6a: {  	_ =	shalt  }
0x6b: {  	_ =	shalt  }
0x6c: {  	_ =	shalt  }
0x6d: {  	_ =	shalt  }
0x6e: {  	_ =	shalt  }
0x6f: {  	_ =	shalt  }
0x70: {  	_ =	shalt  }
0x71: {  	_ =	shalt  }
0x72: {  	_ =	shalt  }
0x73: {  	_ =	shalt  }
0x74: {  	_ =	shalt  }
0x75: {  	_ =	shalt  }
0x76: {  	_ =	shalt  }
0x77: {  	_ =	shalt  }
0x78: {  	_ =	shalt  }
0x79: {  	_ =	shalt  }
0x7a: {  	_ =	shalt  }
0x7b: {  	_ =	shalt  }
0x7c: {  	_ =	shalt  }
0x7d: {  	_ =	shalt  }
0x7e: {  	_ =	shalt  }
0x7f: {  	_ =	shalt  }
0x80: {  	_ =	shalt  }
0x81: {  	_ =	shalt  }
0x82: {  	_ =	shalt  }
0x83: {  	_ =	shalt  }
0x84: {  	_ =	shalt  }
0x85: {  	_ =	shalt  }
0x86: {  	_ =	shalt  }
0x87: {  	_ =	shalt  }
.Lfunc_end0:
.L_simem_size_0:
called_computation.3_lowered:
.L_overlay_start_0:
0x88: {  	s2 =	sld [smem:$0x3FD9]  }
0x89: {  	s3 =	sld [smem:$0x3FFE];
	_ =	sdelay $0x1  }
0x8a: {  	s1 =	srdreg.scid  }
0x8b: {  	s0 =	sand.u32 $0x1, s1  }
0x8c: {  	s17 =	sshll.u32 s0, $0xA;
	s2 =	sadd.s32 s3, s2  }
0x8d: {  	s2 =	sadd.s32 s2, s17  }
0x8e: {  	[smem:$0x3FBF] =	sst s2  }
0x8f: {  	_ = 	snop  }
0x90: {  	s18 =	sld [smem:$0x3FD0];
	(tm) =	ssettm $0x1  }
0x91: {  	s19 =	sld [smem:$0x3FFB];
	_ =	sdelay $0x3  }
0x92: {  	_ =	strace s19  }
0x93: {  	s2 =	sld [smem:$0x3FFC];
	_ =	sdelay $0x3  }
0x94: {  	_ =	strace s2  }
0x95: {  	s2 =	sld [smem:$0x3FFD];
	_ =	sdelay $0x3  }
0x96: {  	_ =	strace s2  }
0x97: {  	_ =	strace $0x8FFFFFFF  }
0x98: {  	s20 =	sld [smem:$0x3FDB];
	_ =	sdelay $0x1  }
0x99: {  	s4 =	simm.s32 $_scs_section_size  }
0x9a: {  	s5 =	simm.s32 $_size__tile_overlayer_lowered;
	s6 =	simm.s32 $_tile_overlayer_lowered  }
0x9b: {  	s7 =	simm.s32 $0x1BFF;
	s21 =	sshll.u32 s6, $0x1;
	s4 =	sadd.s32 s4, s20  }
0x9c: {  	s22 =	simm.s32 $0x0;
	s5 =	sshll.u32 s5, $0x1;
	s6 =	sadd.s32 s21, s4  }
0x9d: {  	[timem:s22], [sflag:s7] =	dma.local [hbm:s6], s5  }
0x9e: {  	_ =	swait.ge [sflag:s7], s5  }
0x9f: {  	s5 =	ssub.s32 $0x0, s5;
	[sflag:s7] =	ssyncset.done $0x0  }
0xa0: {  	[sflag:s7] =	ssyncadd.s32 s5;
	_ =	sdelay $0x1  }
0xa1: {  	s23 =	simm.s32 $0x1B8B  }
0xa2: {  	_ =	swait.ge [sflag:s23], $0x1  }
0xa3: {  	[sflag:s23] =	ssyncset.done $0x0  }
0xa4: {  	[sflag:s23] =	ssyncadd.s32 $0xFFFFFFFF  }
0xa5: {  	s5 =	sld [smem:$0x0]  }
0xa6: {  	s6 =	sand.u32 $0xFFFFFFFE, s1  }
0xa7: {  	p0 =	sne.s32 s1, s6  }
0xa8: {  	s6 =	sshll.u32 @p0 s6, $0xE  }
0xa9: {  	s6 =	sadd.s32 @p0 $0x11B8D, s6;
	s7 =	sshll.u32 @p0 s5, $0x11  }
0xaa: {  	s6 =	sor.u32 @p0 s7, s6  }
0xab: {  	[sflag:s6] =	ssyncadd.remote.s32 @p0 $0x1;
	_ =	sdelay $0x1  }
0xac: {  	s6 =	simm.s32 @p0 $0x1B8D  }
0xad: {  	_ =	swait.eq @p0 [sflag:s6], $0x1  }
0xae: {  	[sflag:s6] =	ssyncadd.s32 @p0 $0xFFFFFFFF  }
0xaf: {  	s7 =	sshll.u32 @!p0 s1, $0xE  }
0xb0: {  	s7 =	sor.u32 @!p0 $0x4000, s7;
	s6 =	simm.s32 @!p0 $0x1B8D  }
0xb1: {  	s5 =	sshll.u32 @!p0 s5, $0x11;
	s7 =	sadd.s32 @!p0 $0x11B8D, s7;
	_ =	swait.eq @!p0 [sflag:s6], $0x1  }
0xb2: {  	s5 =	sor.u32 @!p0 s5, s7;
	[sflag:s6] =	ssyncadd.s32 @!p0 $0xFFFFFFFF  }
0xb3: {  	s25 =	simm.s32 $0x1B8E;
	s24 =	sld [smem:$0x3FFE];
	[sflag:s5] =	ssyncadd.remote.s32 @!p0 $0x1  }
0xb4: {  	s26 =	simm.s32 $execute0_lowered;
	[smem:$0x3FD2] =	sst s25  }
0xb5: {  	s6 =	sshll.u32 s26, $0x1;
	_ =	strace $0x8000004C;
	[dreg:$0x1] =	wrdreg $0xFFFFFFFF  }
0xb6: {  	s28 =	simm.s32 $_size_execute0_lowered;
	s4 =	sadd.s32 s4, s6;
	[dreg:$0x0] =	wrdreg $0x0  }
0xb7: {  	s6 =	sshll.u32 s28, $0x1;
	[dreg:$0x2] =	wrdreg s4  }
0xb8: {  	[dreg:$0x3] =	wrdreg s6  }
0xb9: {  	[dreg:$0x4] =	wrdreg $0xC0  }
0xba: {  	_ =	task [dreg:s22], $0x5FFFF  }
0xbb: {  	[dreg:$0x1] =	wrdreg $0xFFFFFFFF  }
0xbc: {  	[dreg:$0x0] =	wrdreg $0x60  }
0xbd: {  	[dreg:$0x2] =	wrdreg s24  }
0xbe: {  	[dreg:$0x3] =	wrdreg s18  }
0xbf: {  	[dreg:$0x4] =	wrdreg $0xA  }
0xc0: {  	_ =	task.clear_ibuf [dreg:s22], $0x5FFFF;
	_ =	strace $0x9000004C  }
0xc1: {  	s29 =	simm.s32 $0xA;
	_ =	strace $0x8000004E  }
0xc2: {  	_ =	swait.ge [sflag:s29], $0x1  }
0xc3: {  	[sflag:s29] =	ssyncadd.s32 $0xFFFFFFFF  }
0xc4: {  	_ =	strace $0x9000004E  }
0xc5: {  	_ =	sfence  }
0xc6: {  	s30 =	sld [smem:$0x0];
	_ =	sdelay $0x2  }
0xc7: {  	s31 =	sshll.u32 s1, $0xD;
	s1 =	sshrl.u32 s1, $0x2  }
0xc8: {  	s4 =	sand.u32 $0x4000, s31;
	s1 =	sadd.s32 s1, s30  }
0xc9: {  	s0 =	sor.u32 s4, s0;
	s1 =	sshll.u32 s1, $0x11  }
0xca: {  	s0 =	sor.u32 s1, s0  }
0xcb: {  	s0 =	sadd.s32 $0x8F2B, s0  }
0xcc: {  	[sflag:s0] =	ssyncadd.remote.s32 $0x1  }
0xcd: {  	_ =	sfence.sel $0xFFFF  }
0xce: {  	[dreg:$0x0] =	wrdreg $0xFFFFFFFF;
	(pc) =	sbr.abs _section_cstart, $3  }
0xcf: {  	[dreg:$0x1] =	wrdreg $0xFFFFFFFF  }
0xd0: {  	_ =	task.clear_ibuf [dreg:s22], $0x2FFFF;
	_ =	strace $0x9FFFFFFF  }
0xd1: {  	(tm) =	ssettm $0x7FFFFFFF  }
tec
execute0_lowered:
.L_overlay_start_1:
0x0: {  	(tag) =	ssettag $0x1  }
0x1: {  	s4 =	rddreg [dreg:$0x0]  }
0x2: {  	s5 =	rddreg [dreg:$0x1]  }
0x3: {  	s0 =	rddreg [dreg:$0x2];
	s2 =	simm.s32 $0x0;
	s1 =	stileid.u32  }
0x4: {  	s3 =	srdreg.scid;
	s11 =	simm.s32 $0x100;
	s12 =	simm.s32 $0xC00  }
0x5: {  	s13 =	simm.s32 $0x180;
	s14 =	simm.s32 $0x1000;
	s15 =	simm.s32 $0x200  }
0x6: {  	s16 =	simm.s32 $0x1400;
	s17 =	simm.s32 $0x280;
	s18 =	simm.s32 $0x1800  }
0x7: {  	s19 =	simm.s32 $0x300;
	s20 =	simm.s32 $0x1C00;
	s21 =	simm.s32 $0x380  }
0x8: {  	s22 =	simm.s32 $0x2000;
	s23 =	simm.s32 $0x1;
	s6 =	smul.u32 $0x500, s1  }
0x9: {  	s24 =	simm.s32 $0x0;
	s7 =	sand.u32 $0x1, s3;
	s8 =	smul.u32 $0x2800, s1  }
0xa: {  	[smem:$0x7FF] =	sst s2;
	s3 =	sadd.s32 $0x1400, s4;
	s10 =	smul.u32 $0x280, s7  }
0xb: {  	_ =	strace $0x8000004D;
	s9 =	ssub.s32 $0x2, s7;
	s7 =	smul.u32 $0x1400, s7  }
0xc: {  	s4 =	sadd.s32 s6, s4;
	s30 =	sshrl.u32 s9, $0x1;
	s5 =	sadd.s32 s8, s5  }
0xd: {  	s8 =	simm.s32 $0x80;
	s6 =	ssub.s32 s9, s30;
	s31 =	sadd.s32 s10, s4  }
0xe: {  	s5 =	sadd.s32 s7, s5;
	s7 =	simm.s32 $0x2;
	s9 =	simm.s32 $0x400  }
0xf: {  	s10 =	simm.s32 $0x800;
	s4 =	smax.u32 s6, $0x1;
	s6 =	sadd.s32 $0x445400, s31  }
.LBB2_1:
0x10: {  	s25 =	sadd.s32 $0x0, s6  }
0x11: {  	[tilespmem:s2], [sflag:$0x2] =	stream.linear.gather [hbm4b:s25+s2], $0x400, $0x38;
	[tilespmem:$0x2400] =	vst v63  }
0x12: {  	_ =	swait.ge [sflag:s7], $0x400  }
0x13: {  	[sflag:s7] =	ssyncset.done $0x0  }
0x14: {  	[sflag:s7] =	ssyncadd.s32 $0xFFFFFC00  }
0x15: {  	[tilespmem:s9], [sflag:$0x1] =	stream.indirect.gather [hbm4b:s3+s8], $0x8, s2, s8, $0xb8;
	[tilespmem:$0x2400] =	vst v63  }
0x16: {  	_ = 	snop  }
0x17: {  	[tilespmem:s10], [sflag:$0x1] =	stream.indirect.gather [hbm4b:s3+s8], $0x8, s8, s8, $0xb8;
	[tilespmem:$0x2400] =	vst v63  }
0x18: {  	_ = 	snop  }
0x19: {  	[tilespmem:s12], [sflag:$0x1] =	stream.indirect.gather [hbm4b:s3+s8], $0x8, s11, s8, $0xb8;
	[tilespmem:$0x2400] =	vst v63  }
0x1a: {  	_ = 	snop  }
0x1b: {  	[tilespmem:s14], [sflag:$0x1] =	stream.indirect.gather [hbm4b:s3+s8], $0x8, s13, s8, $0xb8;
	[tilespmem:$0x2400] =	vst v63  }
0x1c: {  	_ = 	snop  }
0x1d: {  	[tilespmem:s16], [sflag:$0x1] =	stream.indirect.gather [hbm4b:s3+s8], $0x8, s15, s8, $0xb8;
	[tilespmem:$0x2400] =	vst v63  }
0x1e: {  	_ = 	snop  }
0x1f: {  	[tilespmem:s18], [sflag:$0x1] =	stream.indirect.gather [hbm4b:s3+s8], $0x8, s17, s8, $0xb8;
	[tilespmem:$0x2400] =	vst v63  }
0x20: {  	_ = 	snop  }
0x21: {  	[tilespmem:s20], [sflag:$0x1] =	stream.indirect.gather [hbm4b:s3+s8], $0x8, s19, s8, $0xb8;
	[tilespmem:$0x2400] =	vst v63  }
0x22: {  	_ = 	snop  }
0x23: {  	[tilespmem:s22], [sflag:$0x1] =	stream.indirect.gather [hbm4b:s3+s8], $0x8, s21, s8, $0xb8;
	[tilespmem:$0x2400] =	vst v63  }
0x24: {  	_ =	swait.ge [sflag:s23], $0x400  }
0x25: {  	[sflag:s23] =	ssyncset.done $0x0  }
0x26: {  	[sflag:s23] =	ssyncadd.s32 $0xFFFFFC00  }
0x27: {  	_ =	swait.ge [sflag:s23], $0x400  }
0x28: {  	[sflag:s23] =	ssyncset.done $0x0  }
0x29: {  	[sflag:s23] =	ssyncadd.s32 $0xFFFFFC00  }
0x2a: {  	_ =	swait.ge [sflag:s23], $0x400  }
0x2b: {  	[sflag:s23] =	ssyncset.done $0x0  }
0x2c: {  	[sflag:s23] =	ssyncadd.s32 $0xFFFFFC00  }
0x2d: {  	_ =	swait.ge [sflag:s23], $0x400  }
0x2e: {  	[sflag:s23] =	ssyncset.done $0x0  }
0x2f: {  	[sflag:s23] =	ssyncadd.s32 $0xFFFFFC00  }
0x30: {  	_ =	swait.ge [sflag:s23], $0x400  }
0x31: {  	[sflag:s23] =	ssyncset.done $0x0  }
0x32: {  	[sflag:s23] =	ssyncadd.s32 $0xFFFFFC00  }
0x33: {  	_ =	swait.ge [sflag:s23], $0x400  }
0x34: {  	[sflag:s23] =	ssyncset.done $0x0  }
0x35: {  	[sflag:s23] =	ssyncadd.s32 $0xFFFFFC00  }
0x36: {  	_ =	swait.ge [sflag:s23], $0x400  }
0x37: {  	[sflag:s23] =	ssyncset.done $0x0  }
0x38: {  	[sflag:s23] =	ssyncadd.s32 $0xFFFFFC00  }
0x39: {  	_ =	swait.ge [sflag:s23], $0x400  }
0x3a: {  	[sflag:s23] =	ssyncset.done $0x0  }
0x3b: {  	[sflag:s23] =	ssyncadd.s32 $0xFFFFFC00  }
0x3c: {  	[hbm4b:s5+s2] =	stream.linear.scatter [tilespmem:s9], [sflag:$0x2], $0x2000, $0x38;
	[tilespmem:$0x2400] =	vst v63  }
0x3d: {  	s26 =	simm.s32 $0x80;
	_ =	swait.ge [sflag:s7], $0x2000  }
0x3e: {  	s29 =	simm.s32 $0x100;
	s25 =	sadd.s32 $0x400, s5;
	[sflag:s7] =	ssyncset.done $0x0  }
.LBB2_2:
0x3f: {  	s30 =	sadd.s32 s26, s6  }
0x40: {  	[sflag:s7] =	ssyncadd.s32 $0xFFFFE000;
	s26 =	smov.u32 s29;
	s28 =	sadd.s32 $0x80, s29  }
0x41: {  	[tilespmem:s2], [sflag:$0x2] =	stream.linear.gather [hbm4b:s30+s2], $0x400, $0x38;
	[tilespmem:$0x2400] =	vst v63  }
0x42: {  	p0 =	sne.s32 s29, $0x200;
	_ =	swait.ge [sflag:s7], $0x400  }
0x43: {  	[sflag:s7] =	ssyncset.done $0x0  }
0x44: {  	[sflag:s7] =	ssyncadd.s32 $0xFFFFFC00  }
0x45: {  	[tilespmem:s9], [sflag:$0x1] =	stream.indirect.gather [hbm4b:s3+s8], $0x8, s2, s8, $0xb8;
	[tilespmem:$0x2400] =	vst v63  }
0x46: {  	_ = 	snop  }
0x47: {  	[tilespmem:s10], [sflag:$0x1] =	stream.indirect.gather [hbm4b:s3+s8], $0x8, s8, s8, $0xb8;
	[tilespmem:$0x2400] =	vst v63  }
0x48: {  	_ = 	snop  }
0x49: {  	[tilespmem:s12], [sflag:$0x1] =	stream.indirect.gather [hbm4b:s3+s8], $0x8, s11, s8, $0xb8;
	[tilespmem:$0x2400] =	vst v63  }
0x4a: {  	_ = 	snop  }
0x4b: {  	[tilespmem:s14], [sflag:$0x1] =	stream.indirect.gather [hbm4b:s3+s8], $0x8, s13, s8, $0xb8;
	[tilespmem:$0x2400] =	vst v63  }
0x4c: {  	_ = 	snop  }
0x4d: {  	[tilespmem:s16], [sflag:$0x1] =	stream.indirect.gather [hbm4b:s3+s8], $0x8, s15, s8, $0xb8;
	[tilespmem:$0x2400] =	vst v63  }
0x4e: {  	_ = 	snop  }
0x4f: {  	[tilespmem:s18], [sflag:$0x1] =	stream.indirect.gather [hbm4b:s3+s8], $0x8, s17, s8, $0xb8;
	[tilespmem:$0x2400] =	vst v63  }
0x50: {  	_ = 	snop  }
0x51: {  	[tilespmem:s20], [sflag:$0x1] =	stream.indirect.gather [hbm4b:s3+s8], $0x8, s19, s8, $0xb8;
	[tilespmem:$0x2400] =	vst v63  }
0x52: {  	_ = 	snop  }
0x53: {  	[tilespmem:s22], [sflag:$0x1] =	stream.indirect.gather [hbm4b:s3+s8], $0x8, s21, s8, $0xb8;
	[tilespmem:$0x2400] =	vst v63  }
0x54: {  	_ =	swait.ge [sflag:s23], $0x400  }
0x55: {  	[sflag:s23] =	ssyncset.done $0x0  }
0x56: {  	[sflag:s23] =	ssyncadd.s32 $0xFFFFFC00  }
0x57: {  	_ =	swait.ge [sflag:s23], $0x400  }
0x58: {  	[sflag:s23] =	ssyncset.done $0x0  }
0x59: {  	[sflag:s23] =	ssyncadd.s32 $0xFFFFFC00  }
0x5a: {  	_ =	swait.ge [sflag:s23], $0x400  }
0x5b: {  	[sflag:s23] =	ssyncset.done $0x0  }
0x5c: {  	[sflag:s23] =	ssyncadd.s32 $0xFFFFFC00  }
0x5d: {  	_ =	swait.ge [sflag:s23], $0x400  }
0x5e: {  	[sflag:s23] =	ssyncset.done $0x0  }
0x5f: {  	[sflag:s23] =	ssyncadd.s32 $0xFFFFFC00  }
0x60: {  	_ =	swait.ge [sflag:s23], $0x400  }
0x61: {  	[sflag:s23] =	ssyncset.done $0x0  }
0x62: {  	[sflag:s23] =	ssyncadd.s32 $0xFFFFFC00  }
0x63: {  	_ =	swait.ge [sflag:s23], $0x400  }
0x64: {  	[sflag:s23] =	ssyncset.done $0x0  }
0x65: {  	[sflag:s23] =	ssyncadd.s32 $0xFFFFFC00  }
0x66: {  	_ =	swait.ge [sflag:s23], $0x400  }
0x67: {  	[sflag:s23] =	ssyncset.done $0x0  }
0x68: {  	[sflag:s23] =	ssyncadd.s32 $0xFFFFFC00  }
0x69: {  	_ =	swait.ge [sflag:s23], $0x400  }
.Ltmp0:
0x6a: {  	[sflag:s23] =	ssyncset.done $0x0;
	(pc) =	sbr.rel @p0 .LBB2_2-.Ltmp0, $4  }
0x6b: {  	[sflag:s23] =	ssyncadd.s32 $0xFFFFFC00  }
0x6c: {  	[hbm4b:s25+s2] =	stream.linear.scatter [tilespmem:s9], [sflag:$0x2], $0x2000, $0x38;
	[tilespmem:$0x2400] =	vst v63  }
0x6d: {  	_ =	swait.ge [sflag:s7], $0x2000  }
0x6e: {  	s29 =	smov.u32 s28;
	s25 =	sadd.s32 $0x400, s25;
	[sflag:s7] =	ssyncset.done $0x0  }
0x6f: {  	s26 =	sadd.s32 s26, s6;
	[sflag:s7] =	ssyncadd.s32 $0xFFFFE000  }
0x70: {  	[tilespmem:s2], [sflag:$0x2] =	stream.linear.gather [hbm4b:s26+s2], $0x400, $0x38;
	[tilespmem:$0x2400] =	vst v63  }
0x71: {  	_ =	swait.ge [sflag:s7], $0x400  }
0x72: {  	[sflag:s7] =	ssyncset.done $0x0  }
0x73: {  	[sflag:s7] =	ssyncadd.s32 $0xFFFFFC00  }
0x74: {  	[tilespmem:s9], [sflag:$0x1] =	stream.indirect.gather [hbm4b:s3+s8], $0x8, s2, s8, $0xb8;
	[tilespmem:$0x2400] =	vst v63  }
0x75: {  	_ = 	snop  }
0x76: {  	[tilespmem:s10], [sflag:$0x1] =	stream.indirect.gather [hbm4b:s3+s8], $0x8, s8, s8, $0xb8;
	[tilespmem:$0x2400] =	vst v63  }
0x77: {  	_ = 	snop  }
0x78: {  	[tilespmem:s12], [sflag:$0x1] =	stream.indirect.gather [hbm4b:s3+s8], $0x8, s11, s8, $0xb8;
	[tilespmem:$0x2400] =	vst v63  }
0x79: {  	_ = 	snop  }
0x7a: {  	[tilespmem:s14], [sflag:$0x1] =	stream.indirect.gather [hbm4b:s3+s8], $0x8, s13, s8, $0xb8;
	[tilespmem:$0x2400] =	vst v63  }
0x7b: {  	_ = 	snop  }
0x7c: {  	[tilespmem:s16], [sflag:$0x1] =	stream.indirect.gather [hbm4b:s3+s8], $0x8, s15, s8, $0xb8;
	[tilespmem:$0x2400] =	vst v63  }
0x7d: {  	_ = 	snop  }
0x7e: {  	[tilespmem:s18], [sflag:$0x1] =	stream.indirect.gather [hbm4b:s3+s8], $0x8, s17, s8, $0xb8;
	[tilespmem:$0x2400] =	vst v63  }
0x7f: {  	_ = 	snop  }
0x80: {  	[tilespmem:s20], [sflag:$0x1] =	stream.indirect.gather [hbm4b:s3+s8], $0x8, s19, s8, $0xb8;
	[tilespmem:$0x2400] =	vst v63  }
0x81: {  	_ = 	snop  }
0x82: {  	[tilespmem:s22], [sflag:$0x1] =	stream.indirect.gather [hbm4b:s3+s8], $0x8, s21, s8, $0xb8;
	[tilespmem:$0x2400] =	vst v63  }
0x83: {  	_ =	swait.ge [sflag:s23], $0x400  }
0x84: {  	[sflag:s23] =	ssyncset.done $0x0  }
0x85: {  	[sflag:s23] =	ssyncadd.s32 $0xFFFFFC00  }
0x86: {  	_ =	swait.ge [sflag:s23], $0x400  }
0x87: {  	[sflag:s23] =	ssyncset.done $0x0  }
0x88: {  	[sflag:s23] =	ssyncadd.s32 $0xFFFFFC00  }
0x89: {  	_ =	swait.ge [sflag:s23], $0x400  }
0x8a: {  	[sflag:s23] =	ssyncset.done $0x0  }
0x8b: {  	[sflag:s23] =	ssyncadd.s32 $0xFFFFFC00  }
0x8c: {  	_ =	swait.ge [sflag:s23], $0x400  }
0x8d: {  	[sflag:s23] =	ssyncset.done $0x0  }
0x8e: {  	[sflag:s23] =	ssyncadd.s32 $0xFFFFFC00  }
0x8f: {  	_ =	swait.ge [sflag:s23], $0x400  }
0x90: {  	[sflag:s23] =	ssyncset.done $0x0  }
0x91: {  	[sflag:s23] =	ssyncadd.s32 $0xFFFFFC00  }
0x92: {  	_ =	swait.ge [sflag:s23], $0x400  }
0x93: {  	[sflag:s23] =	ssyncset.done $0x0  }
0x94: {  	[sflag:s23] =	ssyncadd.s32 $0xFFFFFC00  }
0x95: {  	_ =	swait.ge [sflag:s23], $0x400  }
0x96: {  	[sflag:s23] =	ssyncset.done $0x0  }
0x97: {  	[sflag:s23] =	ssyncadd.s32 $0xFFFFFC00  }
0x98: {  	s24 =	sadd.s32 $0x1, s24;
	_ =	swait.ge [sflag:s23], $0x400  }
0x99: {  	p0 =	sne.s32 s24, s4;
	[sflag:s23] =	ssyncset.done $0x0  }
.Ltmp1:
0x9a: {  	[sflag:s23] =	ssyncadd.s32 $0xFFFFFC00;
	(pc) =	sbr.rel @p0 .LBB2_1-.Ltmp1, $4  }
0x9b: {  	[hbm4b:s25+s2] =	stream.linear.scatter [tilespmem:s9], [sflag:$0x2], $0x2000, $0x38;
	[tilespmem:$0x2400] =	vst v63  }
0x9c: {  	_ =	swait.ge [sflag:s7], $0x2000  }
0x9d: {  	[sflag:s7] =	ssyncset.done $0x0  }
0x9e: {  	[sflag:s7] =	ssyncadd.s32 $0xFFFFE000  }
0x9f: {  	_ =	sfence.sel $0x180000  }
0xa0: {  	[bflag:$0x0] =	sbarrier.arrive $0xFFFF  }
0xa1: {  	p0 =	sne.s32 s1, $0x0;
	_ =	strace $0x9000004D  }
0xa2: {  	s0 =	sadd.s32 @!p0 $0x100000, s0;
	[bflag:$0x2] =	sbarrier.arrive $0xFFFF  }
0xa3: {  	[sflag:s0] =	ssyncadd.tile.s32 @!p0 $0x1;
	_ =	shalt  }
.Lfunc_end2:
_tile_overlayer_lowered:
.L_overlay_start_2:
0xa4: {  	(tag) =	ssettag $0x2  }
0xa5: {  	s0 =	rddreg [dreg:$0x0];
	s2 =	stileid.u32  }
0xa6: {  	s1 =	rddreg [dreg:$0x1];
	p0 =	sne.s32 s2, $0x0  }
0xa7: {  	s3 =	rddreg [dreg:$0x2];
	[bflag:$0x3] =	sbarrier.arrive $0xFFFF;
	s2 =	simm.s32 @!p0 $0x1C02  }
0xa8: {  	[timem:s3], [sflag:s2] =	dma.local @!p0 [hbm:s0], s1  }
0xa9: {  	s0 =	simm.s32 @!p0 $0x2  }
0xaa: {  	_ =	swait.ge @!p0 [sflag:s0], s1  }
0xab: {  	s1 =	ssub.s32 @!p0 $0x0, s1;
	[sflag:s0] =	ssyncset.done @!p0 $0x0  }
0xac: {  	[sflag:s0] =	ssyncadd.s32 @!p0 s1  }
0xad: {  	[bflag:$0x3] =	sbarrier.arrive $0xFFFF  }
0xae: {  	_ =	shalt  }

// kernel: kernel.7.cloned.1.call-start
scs
__scs_entry_jumppad:
0x0: {  	(pc) =	sbr.rel $0x88, $3  }
0x1: {  	(tag) =	ssettag $0x0;
	lr =	simm.s32 $0x1  }
0x2: {  	[smem:$0x3F98] =	sst lr;
	_ =	strace $0xD0000000  }
0x3: {  	_ = 	snop  }
0x4: {  	_ = 	snop  }
0x5: {  	_ = 	snop  }
0x6: {  	_ = 	snop  }
0x7: {  	_ = 	snop  }
__scs_overlays_trampoline_lowered:
0x8: {  	[smem:$0x3FA7] =	sst s0  }
0x9: {  	[smem:$0x3FA8] =	sst s1  }
0xa: {  	[smem:$0x3FA9] =	sst s2  }
0xb: {  	[smem:$0x3FAA] =	sst s3  }
0xc: {  	[smem:$0x3FAB] =	sst s4  }
0xd: {  	[smem:$0x3FAC] =	sst s5  }
0xe: {  	[smem:$0x3FAD] =	sst s6  }
0xf: {  	[smem:$0x3FAE] =	sst s7  }
0x10: {  	[smem:$0x3FAF] =	sst s8  }
0x11: {  	[smem:$0x3FB0] =	sst s9;
	s0 =	simm.s32 @!p0 $0x0  }
0x12: {  	s1 =	sld [smem:$0x3F96];
	s0 =	simm.s32 @p0 $0x1  }
0x13: {  	[smem:$0x3FB1] =	sst s0;
	s0 =	simm.s32 @!p1 $0x0  }
0x14: {  	s2 =	sld [smem:$0x3F95];
	s0 =	simm.s32 @p1 $0x1  }
0x15: {  	[smem:$0x3FB2] =	sst s0;
	s0 =	simm.s32 @!p2 $0x0  }
0x16: {  	s3 =	sld [smem:$0x3FDB];
	s0 =	simm.s32 @p2 $0x1  }
0x17: {  	s4 =	simm.s32 $0x1BF5;
	[smem:$0x3FB4] =	sst s0  }
0x18: {  	s0 =	sld [smem:$0x3F97];
	_ =	swait.ge [sflag:s4], $0x0  }
0x19: {  	s7 =	sld [smem:$0x3F98]  }
0x1a: {  	s8 =	sadd.s32 $0xFFFFE003, lr  }
0x1b: {  	s9 =	sadd.s32 $0xFFFFFEF7, lr;
	s5 =	simm.s32 $0xFFFFFFFF;
	p2 =	slt.u32 s8, $0xFFFFF086  }
0x1c: {  	p1 =	slt.u32 s9, $0xF7A;
	s5 =	simm.s32 @!p2 $0x0  }
0x1d: {  	s5 =	simm.s32 @p1 $0x1;
	p0 =	seq.s32 s7, s2  }
0x1e: {  	s7 =	smul.u32 @!p0 $0xF7A, s2;
	p2 =	seq.s32 @!p0 s5, $0x0  }
0x1f: {  	s9 =	smul.u32 $0xF7A, s1;
	s8 =	simm.s32 @!p0 $0x1BF5;
	p2 =	por !p2, p0  }
0x20: {  	[sflag:s8] =	ssyncset.s32 @!p0 $0xFFFFF086;
	s6 =	sadd.s32 @!p0 s3, s7;
	s7 =	simm.s32 @!p0 $0x108  }
0x21: {  	s3 =	sadd.s32 s3, s9;
	s6 =	sadd.s32 @!p0 $0x88, s6;
	s7 =	simm.s32 @p2 $0x1082  }
0x22: {  	[simem:s7], [sflag:s8] =	dma.local @!p0 [hbm:s6], $0xF7A  }
0x23: {  	s9 =	sor.u32 $0xD0000000, s2;
	s6 =	simm.s32 $0x108;
	_ =	swait.ge @!p0 [sflag:s8], $0x0  }
0x24: {  	s3 =	sadd.s32 $0x88, s3;
	s6 =	simm.s32 @!p1 $0x1082;
	[sflag:s4] =	ssyncset.s32 $0xFFFFF086  }
0x25: {  	[simem:s6], [sflag:s4] =	dma.local [hbm:s3], $0xF7A  }
0x26: {  	[smem:$0x3F98] =	sst s1;
	(tag) =	ssettag s2;
	_ =	strace s9  }
0x27: {  	s1 =	sld [smem:$0x3FA8]  }
0x28: {  	s2 =	sld [smem:$0x3FA9]  }
0x29: {  	s4 =	sld [smem:$0x3FAB]  }
0x2a: {  	p0 =	seq.s32 s5, $0x0;
	s5 =	sld [smem:$0x3FAC]  }
0x2b: {  	s6 =	sld [smem:$0x3FAD]  }
0x2c: {  	s7 =	sld [smem:$0x3FAE]  }
0x2d: {  	s3 =	simm.s32 $0x108;
	s8 =	sld [smem:$0x3FAF]  }
0x2e: {  	s3 =	simm.s32 @!p0 $0x1082;
	s9 =	sld [smem:$0x3FB0]  }
0x2f: {  	lr =	sadd.s32 s0, s3;
	s0 =	sld [smem:$0x3FA7]  }
0x30: {  	s3 =	sld [smem:$0x3FAA]  }
0x31: {  	[smem:$0x3FB3] =	sst s10  }
0x32: {  	s10 =	sld [smem:$0x3FB1];
	_ =	sdelay $0x3  }
0x33: {  	p0 =	seq.s32 s10, $0x1;
	s10 =	sld [smem:$0x3FB3];
	_ =	sdelay $0x3  }
0x34: {  	[smem:$0x3FB3] =	sst s10  }
0x35: {  	s10 =	sld [smem:$0x3FB2];
	_ =	sdelay $0x3  }
0x36: {  	p1 =	seq.s32 s10, $0x1;
	s10 =	sld [smem:$0x3FB3];
	_ =	sdelay $0x3  }
0x37: {  	[smem:$0x3FB3] =	sst s10  }
0x38: {  	s10 =	sld [smem:$0x3FB4]  }
0x39: {  	_ = 	snop;
	(pc) =	sbr.ind lr, $3  }
0x3a: {  	_ = 	snop  }
0x3b: {  	_ = 	snop  }
0x3c: {  	p2 =	seq.s32 s10, $0x1;
	s10 =	sld [smem:$0x3FB3]  }
0x3d: {  	_ =	shalt  }
0x3e: {  	_ =	shalt  }
0x3f: {  	_ =	shalt  }
0x40: {  	_ =	shalt  }
0x41: {  	_ =	shalt  }
0x42: {  	_ =	shalt  }
0x43: {  	_ =	shalt  }
0x44: {  	_ =	shalt  }
0x45: {  	_ =	shalt  }
0x46: {  	_ =	shalt  }
0x47: {  	_ =	shalt  }
0x48: {  	_ =	shalt  }
0x49: {  	_ =	shalt  }
0x4a: {  	_ =	shalt  }
0x4b: {  	_ =	shalt  }
0x4c: {  	_ =	shalt  }
0x4d: {  	_ =	shalt  }
0x4e: {  	_ =	shalt  }
0x4f: {  	_ =	shalt  }
0x50: {  	_ =	shalt  }
0x51: {  	_ =	shalt  }
0x52: {  	_ =	shalt  }
0x53: {  	_ =	shalt  }
0x54: {  	_ =	shalt  }
0x55: {  	_ =	shalt  }
0x56: {  	_ =	shalt  }
0x57: {  	_ =	shalt  }
0x58: {  	_ =	shalt  }
0x59: {  	_ =	shalt  }
0x5a: {  	_ =	shalt  }
0x5b: {  	_ =	shalt  }
0x5c: {  	_ =	shalt  }
0x5d: {  	_ =	shalt  }
0x5e: {  	_ =	shalt  }
0x5f: {  	_ =	shalt  }
0x60: {  	_ =	shalt  }
0x61: {  	_ =	shalt  }
0x62: {  	_ =	shalt  }
0x63: {  	_ =	shalt  }
0x64: {  	_ =	shalt  }
0x65: {  	_ =	shalt  }
0x66: {  	_ =	shalt  }
0x67: {  	_ =	shalt  }
0x68: {  	_ =	shalt  }
0x69: {  	_ =	shalt  }
0x6a: {  	_ =	shalt  }
0x6b: {  	_ =	shalt  }
0x6c: {  	_ =	shalt  }
0x6d: {  	_ =	shalt  }
0x6e: {  	_ =	shalt  }
0x6f: {  	_ =	shalt  }
0x70: {  	_ =	shalt  }
0x71: {  	_ =	shalt  }
0x72: {  	_ =	shalt  }
0x73: {  	_ =	shalt  }
0x74: {  	_ =	shalt  }
0x75: {  	_ =	shalt  }
0x76: {  	_ =	shalt  }
0x77: {  	_ =	shalt  }
0x78: {  	_ =	shalt  }
0x79: {  	_ =	shalt  }
0x7a: {  	_ =	shalt  }
0x7b: {  	_ =	shalt  }
0x7c: {  	_ =	shalt  }
0x7d: {  	_ =	shalt  }
0x7e: {  	_ =	shalt  }
0x7f: {  	_ =	shalt  }
0x80: {  	_ =	shalt  }
0x81: {  	_ =	shalt  }
0x82: {  	_ =	shalt  }
0x83: {  	_ =	shalt  }
0x84: {  	_ =	shalt  }
0x85: {  	_ =	shalt  }
0x86: {  	_ =	shalt  }
0x87: {  	_ =	shalt  }
.Lfunc_end0:
.L_simem_size_0:
called_computation.2_lowered:
.L_overlay_start_0:
0x88: {  	s2 =	sld [smem:$0x3FD9]  }
0x89: {  	s3 =	sld [smem:$0x3FFE];
	_ =	sdelay $0x1  }
0x8a: {  	s1 =	srdreg.scid  }
0x8b: {  	s0 =	sand.u32 $0x1, s1  }
0x8c: {  	s17 =	sshll.u32 s0, $0xA;
	s2 =	sadd.s32 s3, s2  }
0x8d: {  	s2 =	sadd.s32 s2, s17  }
0x8e: {  	[smem:$0x3FBF] =	sst s2  }
0x8f: {  	_ = 	snop  }
0x90: {  	(tm) =	ssettm $0x1  }
0x91: {  	s18 =	sld [smem:$0x3FFB];
	_ =	sdelay $0x3  }
0x92: {  	_ =	strace s18  }
0x93: {  	s2 =	sld [smem:$0x3FFC];
	_ =	sdelay $0x3  }
0x94: {  	_ =	strace s2  }
0x95: {  	s2 =	sld [smem:$0x3FFD];
	_ =	sdelay $0x3  }
0x96: {  	_ =	strace s2  }
0x97: {  	_ =	strace $0x8FFFFFFF  }
0x98: {  	s19 =	sld [smem:$0x3FDB];
	_ =	sdelay $0x1  }
0x99: {  	s20 =	simm.s32 $_scs_section_size  }
0x9a: {  	s4 =	simm.s32 $_size__tile_overlayer_lowered;
	s5 =	simm.s32 $_tile_overlayer_lowered  }
0x9b: {  	s6 =	simm.s32 $0x1BFF;
	s21 =	sshll.u32 s5, $0x1;
	s3 =	sadd.s32 s20, s19  }
0x9c: {  	s22 =	simm.s32 $0x0;
	s4 =	sshll.u32 s4, $0x1;
	s5 =	sadd.s32 s21, s3  }
0x9d: {  	[timem:s22], [sflag:s6] =	dma.local [hbm:s5], s4  }
0x9e: {  	_ =	swait.ge [sflag:s6], s4  }
0x9f: {  	s4 =	ssub.s32 $0x0, s4;
	[sflag:s6] =	ssyncset.done $0x0  }
0xa0: {  	[sflag:s6] =	ssyncadd.s32 s4;
	_ =	sdelay $0x1  }
0xa1: {  	s23 =	simm.s32 $0x1B8B  }
0xa2: {  	_ =	swait.ge [sflag:s23], $0x1  }
0xa3: {  	[sflag:s23] =	ssyncset.done $0x0  }
0xa4: {  	[sflag:s23] =	ssyncadd.s32 $0xFFFFFFFF  }
0xa5: {  	s4 =	sld [smem:$0x0]  }
0xa6: {  	s5 =	sand.u32 $0xFFFFFFFE, s1  }
0xa7: {  	p0 =	sne.s32 s1, s5  }
0xa8: {  	s5 =	sshll.u32 @p0 s5, $0xE  }
0xa9: {  	s5 =	sadd.s32 @p0 $0x11B8D, s5;
	s6 =	sshll.u32 @p0 s4, $0x11  }
0xaa: {  	s5 =	sor.u32 @p0 s6, s5  }
0xab: {  	[sflag:s5] =	ssyncadd.remote.s32 @p0 $0x1;
	_ =	sdelay $0x1  }
0xac: {  	s5 =	simm.s32 @p0 $0x1B8D  }
0xad: {  	_ =	swait.eq @p0 [sflag:s5], $0x1  }
0xae: {  	[sflag:s5] =	ssyncadd.s32 @p0 $0xFFFFFFFF  }
0xaf: {  	s6 =	sshll.u32 @!p0 s1, $0xE  }
0xb0: {  	s6 =	sor.u32 @!p0 $0x4000, s6;
	s5 =	simm.s32 @!p0 $0x1B8D  }
0xb1: {  	s4 =	sshll.u32 @!p0 s4, $0x11;
	s6 =	sadd.s32 @!p0 $0x11B8D, s6;
	_ =	swait.eq @!p0 [sflag:s5], $0x1  }
0xb2: {  	s4 =	sor.u32 @!p0 s4, s6;
	[sflag:s5] =	ssyncadd.s32 @!p0 $0xFFFFFFFF  }
0xb3: {  	s25 =	simm.s32 $0x1B8E;
	s24 =	sld [smem:$0x3FFE];
	[sflag:s4] =	ssyncadd.remote.s32 @!p0 $0x1  }
0xb4: {  	s26 =	simm.s32 $execute0_lowered;
	[smem:$0x3FD2] =	sst s25  }
0xb5: {  	s5 =	sshll.u32 s26, $0x1;
	_ =	strace $0x8000004F;
	[dreg:$0x1] =	wrdreg $0xFFFFFFFF  }
0xb6: {  	s28 =	simm.s32 $_size_execute0_lowered;
	s3 =	sadd.s32 s3, s5;
	[dreg:$0x0] =	wrdreg $0x0  }
0xb7: {  	s5 =	sshll.u32 s28, $0x1;
	[dreg:$0x2] =	wrdreg s3  }
0xb8: {  	[dreg:$0x3] =	wrdreg s5  }
0xb9: {  	[dreg:$0x4] =	wrdreg $0xC0  }
0xba: {  	_ =	task [dreg:s22], $0x5FFFF  }
0xbb: {  	[dreg:$0x1] =	wrdreg $0xFFFFFFFF  }
0xbc: {  	[dreg:$0x0] =	wrdreg $0x60  }
0xbd: {  	[dreg:$0x2] =	wrdreg s24  }
0xbe: {  	[dreg:$0x3] =	wrdreg $0x9  }
0xbf: {  	_ =	task.clear_ibuf [dreg:s22], $0x4FFFF;
	_ =	strace $0x9000004F  }
0xc0: {  	s29 =	simm.s32 $0x9;
	_ =	strace $0x80000051  }
0xc1: {  	_ =	swait.ge [sflag:s29], $0x1  }
0xc2: {  	[sflag:s29] =	ssyncadd.s32 $0xFFFFFFFF  }
0xc3: {  	_ =	strace $0x90000051  }
0xc4: {  	_ =	sfence  }
0xc5: {  	s30 =	sld [smem:$0x0];
	_ =	sdelay $0x2  }
0xc6: {  	s31 =	sshll.u32 s1, $0xD;
	s1 =	sshrl.u32 s1, $0x2  }
0xc7: {  	s4 =	sand.u32 $0x4000, s31;
	s1 =	sadd.s32 s1, s30  }
0xc8: {  	s0 =	sor.u32 s4, s0;
	s1 =	sshll.u32 s1, $0x11  }
0xc9: {  	s0 =	sor.u32 s1, s0  }
0xca: {  	s0 =	sadd.s32 $0x8F2B, s0  }
0xcb: {  	[sflag:s0] =	ssyncadd.remote.s32 $0x1  }
0xcc: {  	_ =	sfence.sel $0xFFFF  }
0xcd: {  	[dreg:$0x0] =	wrdreg $0xFFFFFFFF;
	(pc) =	sbr.abs _section_cstart, $3  }
0xce: {  	[dreg:$0x1] =	wrdreg $0xFFFFFFFF  }
0xcf: {  	_ =	task.clear_ibuf [dreg:s22], $0x2FFFF;
	_ =	strace $0x9FFFFFFF  }
0xd0: {  	(tm) =	ssettm $0x7FFFFFFF  }
0xd1: {  	_ =	shalt  }
tec
execute0_lowered:
.L_overlay_start_1:
0x0: {  	(tag) =	ssettag $0x1  }
0x1: {  	s0 =	rddreg [dreg:$0x0];
	s5 =	stileid.u32  }
0x2: {  	s1 =	srdreg.scid;
	s2 =	simm.s32 $0x0;
	s19 =	simm.s32 $0xC00  }
0x3: {  	s20 =	simm.s32 $0x100;
	s21 =	simm.s32 $0x1000;
	s22 =	simm.s32 $0x180  }
0x4: {  	s23 =	simm.s32 $0x1400;
	s24 =	simm.s32 $0x200;
	s25 =	simm.s32 $0x1800  }
0x5: {  	s26 =	simm.s32 $0x280;
	s7 =	simm.s32 $0x80;
	s31 =	simm.s32 $0x1C00  }
0x6: {  	s8 =	simm.s32 $0x800;
	s9 =	simm.s32 $0x300;
	s10 =	simm.s32 $0x2000  }
0x7: {  	s11 =	simm.s32 $0x380;
	s12 =	simm.s32 $0x2400;
	[smem:$0x7FF] =	sst s2  }
0x8: {  	s13 =	simm.s32 $0x400;
	_ =	strace $0x80000050;
	[dreg:$0x3] =	wrdreg s19  }
0x9: {  	s14 =	simm.s32 $0x2800;
	s15 =	simm.s32 $0x480;
	[dreg:$0x4] =	wrdreg s20  }
0xa: {  	s16 =	simm.s32 $0x2C00;
	s17 =	simm.s32 $0x500;
	[dreg:$0x5] =	wrdreg s21  }
0xb: {  	s28 =	simm.s32 $0x780;
	s29 =	simm.s32 $0x4400;
	[dreg:$0x6] =	wrdreg s22  }
0xc: {  	s30 =	simm.s32 $0x1;
	s3 =	sshll.u32 s5, $0xB;
	[dreg:$0x7] =	wrdreg s23  }
0xd: {  	s1 =	sand.u32 $0x1, s1;
	s5 =	sshll.u32 s5, $0xE;
	[dreg:$0x8] =	wrdreg s24  }
0xe: {  	s3 =	sadd.s32 s3, s0;
	s4 =	sshll.u32 s1, $0xA;
	[dreg:$0x9] =	wrdreg s25  }
0xf: {  	s18 =	ssub.s32 $0x2, s1;
	s1 =	sshll.u32 s1, $0xD;
	[dreg:$0xa] =	wrdreg s26  }
0x10: {  	[dreg:$0xb] =	wrdreg s31;
	s19 =	simm.s32 $0x580;
	s20 =	simm.s32 $0x3400  }
0x11: {  	s21 =	simm.s32 $0x600;
	s22 =	simm.s32 $0x3800;
	s23 =	simm.s32 $0x680  }
0x12: {  	s24 =	simm.s32 $0x3C00;
	s25 =	simm.s32 $0x700;
	s26 =	simm.s32 $0x4000  }
0x13: {  	s4 =	sadd.s32 s4, s3;
	s3 =	sadd.s32 $0x2A5400, s0;
	s6 =	sshrl.u32 s18, $0x1  }
0x14: {  	s0 =	sadd.s32 s5, s0;
	s4 =	sadd.s32 $0x44A400, s4;
	s5 =	ssub.s32 s18, s6  }
0x15: {  	s0 =	sadd.s32 s1, s0;
	[dreg:$0x2] =	wrdreg s4;
	s5 =	smax.u32 s5, $0x1  }
0x16: {  	s6 =	simm.s32 $0x2;
	s0 =	sadd.s32 $0x105400, s0;
	[dreg:$0xc] =	wrdreg s5  }
0x17: {  	s18 =	simm.s32 $0x3000;
	s1 =	simm.s32 $0x0;
	[dreg:$0xd] =	wrdreg s0  }
.LBB2_1:
0x18: {  	s0 =	rddreg [dreg:$0x2]  }
0x19: {  	[dreg:$0xe] =	wrdreg s1;
	s0 =	sadd.s32 $0x0, s0  }
0x1a: {  	[tilespmem:s2], [sflag:$0x2] =	stream.linear.gather [hbm4b:s0+s2], $0x800, $0x38;
	[tilespmem:$0x4800] =	vst v63  }
0x1b: {  	_ =	swait.ge [sflag:s6], $0x800  }
0x1c: {  	s0 =	rddreg [dreg:$0x4]  }
0x1d: {  	[sflag:s6] =	ssyncset.done $0x0;
	s31 =	rddreg [dreg:$0x3]  }
0x1e: {  	s5 =	rddreg [dreg:$0x5];
	[sflag:s6] =	ssyncadd.s32 $0xFFFFF800  }
0x1f: {  	[tilespmem:s8], [sflag:$0x1] =	stream.indirect.gather [hbm4b:s3+s7], $0x8, s2, s7, $0xb8;
	[tilespmem:$0x4800] =	vst v63  }
0x20: {  	s4 =	rddreg [dreg:$0x7]  }
0x21: {  	[tilespmem:s31], [sflag:$0x1] =	stream.indirect.gather [hbm4b:s3+s7], $0x8, s7, s7, $0xb8;
	[tilespmem:$0x4800] =	vst v63  }
0x22: {  	s31 =	rddreg [dreg:$0x6]  }
0x23: {  	[tilespmem:s5], [sflag:$0x1] =	stream.indirect.gather [hbm4b:s3+s7], $0x8, s0, s7, $0xb8;
	[tilespmem:$0x4800] =	vst v63  }
0x24: {  	s0 =	rddreg [dreg:$0x9]  }
0x25: {  	s5 =	rddreg [dreg:$0x8]  }
0x26: {  	[tilespmem:s4], [sflag:$0x1] =	stream.indirect.gather [hbm4b:s3+s7], $0x8, s31, s7, $0xb8;
	[tilespmem:$0x4800] =	vst v63  }
0x27: {  	s4 =	rddreg [dreg:$0xb]  }
0x28: {  	[tilespmem:s0], [sflag:$0x1] =	stream.indirect.gather [hbm4b:s3+s7], $0x8, s5, s7, $0xb8;
	[tilespmem:$0x4800] =	vst v63  }
0x29: {  	s31 =	rddreg [dreg:$0xa]  }
0x2a: {  	[tilespmem:s4], [sflag:$0x1] =	stream.indirect.gather [hbm4b:s3+s7], $0x8, s31, s7, $0xb8;
	[tilespmem:$0x4800] =	vst v63  }
0x2b: {  	_ = 	snop  }
0x2c: {  	[tilespmem:s10], [sflag:$0x1] =	stream.indirect.gather [hbm4b:s3+s7], $0x8, s9, s7, $0xb8;
	[tilespmem:$0x4800] =	vst v63  }
0x2d: {  	_ = 	snop  }
0x2e: {  	[tilespmem:s12], [sflag:$0x1] =	stream.indirect.gather [hbm4b:s3+s7], $0x8, s11, s7, $0xb8;
	[tilespmem:$0x4800] =	vst v63  }
0x2f: {  	_ = 	snop  }
0x30: {  	[tilespmem:s14], [sflag:$0x1] =	stream.indirect.gather [hbm4b:s3+s7], $0x8, s13, s7, $0xb8;
	[tilespmem:$0x4800] =	vst v63  }
0x31: {  	_ = 	snop  }
0x32: {  	[tilespmem:s16], [sflag:$0x1] =	stream.indirect.gather [hbm4b:s3+s7], $0x8, s15, s7, $0xb8;
	[tilespmem:$0x4800] =	vst v63  }
0x33: {  	_ = 	snop  }
0x34: {  	[tilespmem:s18], [sflag:$0x1] =	stream.indirect.gather [hbm4b:s3+s7], $0x8, s17, s7, $0xb8;
	[tilespmem:$0x4800] =	vst v63  }
0x35: {  	_ = 	snop  }
0x36: {  	[tilespmem:s20], [sflag:$0x1] =	stream.indirect.gather [hbm4b:s3+s7], $0x8, s19, s7, $0xb8;
	[tilespmem:$0x4800] =	vst v63  }
0x37: {  	_ = 	snop  }
0x38: {  	[tilespmem:s22], [sflag:$0x1] =	stream.indirect.gather [hbm4b:s3+s7], $0x8, s21, s7, $0xb8;
	[tilespmem:$0x4800] =	vst v63  }
0x39: {  	_ = 	snop  }
0x3a: {  	[tilespmem:s24], [sflag:$0x1] =	stream.indirect.gather [hbm4b:s3+s7], $0x8, s23, s7, $0xb8;
	[tilespmem:$0x4800] =	vst v63  }
0x3b: {  	_ = 	snop  }
0x3c: {  	[tilespmem:s26], [sflag:$0x1] =	stream.indirect.gather [hbm4b:s3+s7], $0x8, s25, s7, $0xb8;
	[tilespmem:$0x4800] =	vst v63  }
0x3d: {  	_ = 	snop  }
0x3e: {  	[tilespmem:s29], [sflag:$0x1] =	stream.indirect.gather [hbm4b:s3+s7], $0x8, s28, s7, $0xb8;
	[tilespmem:$0x4800] =	vst v63  }
0x3f: {  	_ =	swait.ge [sflag:s30], $0x400  }
0x40: {  	[sflag:s30] =	ssyncset.done $0x0  }
0x41: {  	[sflag:s30] =	ssyncadd.s32 $0xFFFFFC00  }
0x42: {  	_ =	swait.ge [sflag:s30], $0x400  }
0x43: {  	[sflag:s30] =	ssyncset.done $0x0  }
0x44: {  	[sflag:s30] =	ssyncadd.s32 $0xFFFFFC00  }
0x45: {  	_ =	swait.ge [sflag:s30], $0x400  }
0x46: {  	[sflag:s30] =	ssyncset.done $0x0  }
0x47: {  	[sflag:s30] =	ssyncadd.s32 $0xFFFFFC00  }
0x48: {  	_ =	swait.ge [sflag:s30], $0x400  }
0x49: {  	[sflag:s30] =	ssyncset.done $0x0  }
0x4a: {  	[sflag:s30] =	ssyncadd.s32 $0xFFFFFC00  }
0x4b: {  	_ =	swait.ge [sflag:s30], $0x400  }
0x4c: {  	[sflag:s30] =	ssyncset.done $0x0  }
0x4d: {  	[sflag:s30] =	ssyncadd.s32 $0xFFFFFC00  }
0x4e: {  	_ =	swait.ge [sflag:s30], $0x400  }
0x4f: {  	[sflag:s30] =	ssyncset.done $0x0  }
0x50: {  	[sflag:s30] =	ssyncadd.s32 $0xFFFFFC00  }
0x51: {  	_ =	swait.ge [sflag:s30], $0x400  }
0x52: {  	[sflag:s30] =	ssyncset.done $0x0  }
0x53: {  	[sflag:s30] =	ssyncadd.s32 $0xFFFFFC00  }
0x54: {  	_ =	swait.ge [sflag:s30], $0x400  }
0x55: {  	[sflag:s30] =	ssyncset.done $0x0  }
0x56: {  	[sflag:s30] =	ssyncadd.s32 $0xFFFFFC00  }
0x57: {  	_ =	swait.ge [sflag:s30], $0x400  }
0x58: {  	[sflag:s30] =	ssyncset.done $0x0  }
0x59: {  	[sflag:s30] =	ssyncadd.s32 $0xFFFFFC00  }
0x5a: {  	_ =	swait.ge [sflag:s30], $0x400  }
0x5b: {  	[sflag:s30] =	ssyncset.done $0x0  }
0x5c: {  	[sflag:s30] =	ssyncadd.s32 $0xFFFFFC00  }
0x5d: {  	_ =	swait.ge [sflag:s30], $0x400  }
0x5e: {  	[sflag:s30] =	ssyncset.done $0x0  }
0x5f: {  	[sflag:s30] =	ssyncadd.s32 $0xFFFFFC00  }
0x60: {  	_ =	swait.ge [sflag:s30], $0x400  }
0x61: {  	[sflag:s30] =	ssyncset.done $0x0  }
0x62: {  	[sflag:s30] =	ssyncadd.s32 $0xFFFFFC00  }
0x63: {  	_ =	swait.ge [sflag:s30], $0x400  }
0x64: {  	[sflag:s30] =	ssyncset.done $0x0  }
0x65: {  	[sflag:s30] =	ssyncadd.s32 $0xFFFFFC00  }
0x66: {  	_ =	swait.ge [sflag:s30], $0x400  }
0x67: {  	[sflag:s30] =	ssyncset.done $0x0  }
0x68: {  	[sflag:s30] =	ssyncadd.s32 $0xFFFFFC00  }
0x69: {  	_ =	swait.ge [sflag:s30], $0x400  }
0x6a: {  	[sflag:s30] =	ssyncset.done $0x0  }
0x6b: {  	[sflag:s30] =	ssyncadd.s32 $0xFFFFFC00  }
0x6c: {  	_ =	swait.ge [sflag:s30], $0x400  }
0x6d: {  	[sflag:s30] =	ssyncset.done $0x0;
	s5 =	rddreg [dreg:$0xd]  }
0x6e: {  	s0 =	simm.s32 $0x100;
	[sflag:s30] =	ssyncadd.s32 $0xFFFFFC00;
	s1 =	sadd.s32 $0x800, s5  }
.LBB2_2:
0x6f: {  	[hbm4b:s5+s2] =	stream.linear.scatter [tilespmem:s8], [sflag:$0x2], $0x4000, $0x38;
	[tilespmem:$0x4800] =	vst v63  }
0x70: {  	_ =	swait.ge [sflag:s6], $0x4000  }
0x71: {  	s4 =	smov.u32 s0;
	s31 =	rddreg [dreg:$0x2];
	[sflag:s6] =	ssyncset.done $0x0  }
0x72: {  	[sflag:s6] =	ssyncadd.s32 $0xFFFFC000;
	s4 =	sadd.s32 s4, s31  }
0x73: {  	[tilespmem:s2], [sflag:$0x2] =	stream.linear.gather [hbm4b:s4+s2], $0x800, $0x38;
	[tilespmem:$0x4800] =	vst v63  }
0x74: {  	_ =	swait.ge [sflag:s6], $0x800  }
0x75: {  	s4 =	rddreg [dreg:$0xb]  }
0x76: {  	s31 =	rddreg [dreg:$0x9]  }
0x77: {  	[sflag:s6] =	ssyncset.done $0x0;
	s9 =	rddreg [dreg:$0x4]  }
0x78: {  	s10 =	rddreg [dreg:$0x3];
	[sflag:s6] =	ssyncadd.s32 $0xFFFFF800  }
0x79: {  	[tilespmem:s8], [sflag:$0x1] =	stream.indirect.gather [hbm4b:s3+s7], $0x8, s2, s7, $0xb8;
	[tilespmem:$0x4800] =	vst v63  }
0x7a: {  	s11 =	rddreg [dreg:$0x5]  }
0x7b: {  	[tilespmem:s10], [sflag:$0x1] =	stream.indirect.gather [hbm4b:s3+s7], $0x8, s7, s7, $0xb8;
	[tilespmem:$0x4800] =	vst v63  }
0x7c: {  	s12 =	rddreg [dreg:$0x7]  }
0x7d: {  	[tilespmem:s11], [sflag:$0x1] =	stream.indirect.gather [hbm4b:s3+s7], $0x8, s9, s7, $0xb8;
	[tilespmem:$0x4800] =	vst v63  }
0x7e: {  	s10 =	rddreg [dreg:$0x6]  }
0x7f: {  	[tilespmem:s12], [sflag:$0x1] =	stream.indirect.gather [hbm4b:s3+s7], $0x8, s10, s7, $0xb8;
	[tilespmem:$0x4800] =	vst v63  }
0x80: {  	s9 =	rddreg [dreg:$0x8]  }
0x81: {  	[tilespmem:s31], [sflag:$0x1] =	stream.indirect.gather [hbm4b:s3+s7], $0x8, s9, s7, $0xb8;
	[tilespmem:$0x4800] =	vst v63  }
0x82: {  	s10 =	rddreg [dreg:$0xa]  }
0x83: {  	[tilespmem:s4], [sflag:$0x1] =	stream.indirect.gather [hbm4b:s3+s7], $0x8, s10, s7, $0xb8;
	[tilespmem:$0x4800] =	vst v63  }
0x84: {  	s9 =	simm.s32 $0x300;
	s10 =	simm.s32 $0x2000  }
0x85: {  	[tilespmem:s10], [sflag:$0x1] =	stream.indirect.gather [hbm4b:s3+s7], $0x8, s9, s7, $0xb8;
	[tilespmem:$0x4800] =	vst v63  }
0x86: {  	s11 =	simm.s32 $0x380;
	s12 =	simm.s32 $0x2400  }
0x87: {  	[tilespmem:s12], [sflag:$0x1] =	stream.indirect.gather [hbm4b:s3+s7], $0x8, s11, s7, $0xb8;
	[tilespmem:$0x4800] =	vst v63  }
0x88: {  	_ = 	snop  }
0x89: {  	[tilespmem:s14], [sflag:$0x1] =	stream.indirect.gather [hbm4b:s3+s7], $0x8, s13, s7, $0xb8;
	[tilespmem:$0x4800] =	vst v63  }
0x8a: {  	_ = 	snop  }
0x8b: {  	[tilespmem:s16], [sflag:$0x1] =	stream.indirect.gather [hbm4b:s3+s7], $0x8, s15, s7, $0xb8;
	[tilespmem:$0x4800] =	vst v63  }
0x8c: {  	_ = 	snop  }
0x8d: {  	[tilespmem:s18], [sflag:$0x1] =	stream.indirect.gather [hbm4b:s3+s7], $0x8, s17, s7, $0xb8;
	[tilespmem:$0x4800] =	vst v63  }
0x8e: {  	_ = 	snop  }
0x8f: {  	[tilespmem:s20], [sflag:$0x1] =	stream.indirect.gather [hbm4b:s3+s7], $0x8, s19, s7, $0xb8;
	[tilespmem:$0x4800] =	vst v63  }
0x90: {  	_ = 	snop  }
0x91: {  	[tilespmem:s22], [sflag:$0x1] =	stream.indirect.gather [hbm4b:s3+s7], $0x8, s21, s7, $0xb8;
	[tilespmem:$0x4800] =	vst v63  }
0x92: {  	_ = 	snop  }
0x93: {  	[tilespmem:s24], [sflag:$0x1] =	stream.indirect.gather [hbm4b:s3+s7], $0x8, s23, s7, $0xb8;
	[tilespmem:$0x4800] =	vst v63  }
0x94: {  	_ = 	snop  }
0x95: {  	[tilespmem:s26], [sflag:$0x1] =	stream.indirect.gather [hbm4b:s3+s7], $0x8, s25, s7, $0xb8;
	[tilespmem:$0x4800] =	vst v63  }
0x96: {  	_ = 	snop  }
0x97: {  	[tilespmem:s29], [sflag:$0x1] =	stream.indirect.gather [hbm4b:s3+s7], $0x8, s28, s7, $0xb8;
	[tilespmem:$0x4800] =	vst v63  }
0x98: {  	_ =	swait.ge [sflag:s30], $0x400  }
0x99: {  	[sflag:s30] =	ssyncset.done $0x0  }
0x9a: {  	[sflag:s30] =	ssyncadd.s32 $0xFFFFFC00  }
0x9b: {  	_ =	swait.ge [sflag:s30], $0x400  }
0x9c: {  	[sflag:s30] =	ssyncset.done $0x0  }
0x9d: {  	[sflag:s30] =	ssyncadd.s32 $0xFFFFFC00  }
0x9e: {  	_ =	swait.ge [sflag:s30], $0x400  }
0x9f: {  	[sflag:s30] =	ssyncset.done $0x0  }
0xa0: {  	[sflag:s30] =	ssyncadd.s32 $0xFFFFFC00  }
0xa1: {  	_ =	swait.ge [sflag:s30], $0x400  }
0xa2: {  	[sflag:s30] =	ssyncset.done $0x0  }
0xa3: {  	[sflag:s30] =	ssyncadd.s32 $0xFFFFFC00  }
0xa4: {  	_ =	swait.ge [sflag:s30], $0x400  }
0xa5: {  	[sflag:s30] =	ssyncset.done $0x0  }
0xa6: {  	[sflag:s30] =	ssyncadd.s32 $0xFFFFFC00  }
0xa7: {  	_ =	swait.ge [sflag:s30], $0x400  }
0xa8: {  	[sflag:s30] =	ssyncset.done $0x0  }
0xa9: {  	[sflag:s30] =	ssyncadd.s32 $0xFFFFFC00  }
0xaa: {  	_ =	swait.ge [sflag:s30], $0x400  }
0xab: {  	[sflag:s30] =	ssyncset.done $0x0  }
0xac: {  	[sflag:s30] =	ssyncadd.s32 $0xFFFFFC00  }
0xad: {  	_ =	swait.ge [sflag:s30], $0x400  }
0xae: {  	[sflag:s30] =	ssyncset.done $0x0  }
0xaf: {  	[sflag:s30] =	ssyncadd.s32 $0xFFFFFC00  }
0xb0: {  	_ =	swait.ge [sflag:s30], $0x400  }
0xb1: {  	[sflag:s30] =	ssyncset.done $0x0  }
0xb2: {  	[sflag:s30] =	ssyncadd.s32 $0xFFFFFC00  }
0xb3: {  	_ =	swait.ge [sflag:s30], $0x400  }
0xb4: {  	[sflag:s30] =	ssyncset.done $0x0  }
0xb5: {  	[sflag:s30] =	ssyncadd.s32 $0xFFFFFC00  }
0xb6: {  	_ =	swait.ge [sflag:s30], $0x400  }
0xb7: {  	[sflag:s30] =	ssyncset.done $0x0  }
0xb8: {  	[sflag:s30] =	ssyncadd.s32 $0xFFFFFC00  }
0xb9: {  	_ =	swait.ge [sflag:s30], $0x400  }
0xba: {  	[sflag:s30] =	ssyncset.done $0x0  }
0xbb: {  	[sflag:s30] =	ssyncadd.s32 $0xFFFFFC00  }
0xbc: {  	_ =	swait.ge [sflag:s30], $0x400  }
0xbd: {  	[sflag:s30] =	ssyncset.done $0x0  }
0xbe: {  	[sflag:s30] =	ssyncadd.s32 $0xFFFFFC00  }
0xbf: {  	_ =	swait.ge [sflag:s30], $0x400  }
0xc0: {  	[sflag:s30] =	ssyncset.done $0x0  }
0xc1: {  	[sflag:s30] =	ssyncadd.s32 $0xFFFFFC00  }
0xc2: {  	p0 =	sne.s32 s0, $0x300;
	_ =	swait.ge [sflag:s30], $0x400  }
.Ltmp0:
0xc3: {  	[sflag:s30] =	ssyncset.done $0x0;
	(pc) =	sbr.rel @p0 .LBB2_2-.Ltmp0, $4  }
0xc4: {  	[sflag:s30] =	ssyncadd.s32 $0xFFFFFC00  }
0xc5: {  	_ =	swait.ge [sflag:s30], $0x400  }
0xc6: {  	s5 =	smov.u32 s1;
	[sflag:s30] =	ssyncset.done $0x0  }
0xc7: {  	s0 =	sadd.s32 $0x100, s0;
	s1 =	sadd.s32 $0x800, s1;
	[sflag:s30] =	ssyncadd.s32 $0xFFFFFC00  }
0xc8: {  	[hbm4b:s5+s2] =	stream.linear.scatter [tilespmem:s8], [sflag:$0x2], $0x4000, $0x38;
	[tilespmem:$0x4800] =	vst v63  }
0xc9: {  	_ =	swait.ge [sflag:s6], $0x4000  }
0xca: {  	s1 =	rddreg [dreg:$0xe]  }
0xcb: {  	s0 =	rddreg [dreg:$0xc];
	s1 =	sadd.s32 $0x1, s1  }
0xcc: {  	p0 =	sne.s32 s1, s0  }
.Ltmp1:
0xcd: {  	_ = 	snop;
	(pc) =	sbr.rel @p0 .LBB2_1-.Ltmp1, $3  }
0xce: {  	_ =	sdelay $0x1  }
0xcf: {  	[sflag:s6] =	ssyncset.done $0x0  }
0xd0: {  	[sflag:s6] =	ssyncadd.s32 $0xFFFFC000  }
0xd1: {  	_ =	sfence.sel $0x180000  }
0xd2: {  	[bflag:$0x0] =	sbarrier.arrive $0xFFFF  }
0xd3: {  	_ =	strace $0x90000050  }
0xd4: {  	s0 =	stileid.u32;
	[bflag:$0x2] =	sbarrier.arrive $0xFFFF  }
0xd5: {  	p0 =	sne.s32 s0, $0x0;
	s0 =	rddreg [dreg:$0x1]  }
0xd6: {  	s0 =	sadd.s32 @!p0 $0x100000, s0  }
0xd7: {  	[sflag:s0] =	ssyncadd.tile.s32 @!p0 $0x1;
	_ =	shalt  }
.Lfunc_end2:
_tile_overlayer_lowered:
.L_overlay_start_2:
0xd8: {  	(tag) =	ssettag $0x2  }
0xd9: {  	s0 =	rddreg [dreg:$0x0];
	s2 =	stileid.u32  }
0xda: {  	s1 =	rddreg [dreg:$0x1];
	p0 =	sne.s32 s2, $0x0  }
0xdb: {  	s3 =	rddreg [dreg:$0x2];
	[bflag:$0x3] =	sbarrier.arrive $0xFFFF;
	s2 =	simm.s32 @!p0 $0x1C02  }
0xdc: {  	[timem:s3], [sflag:s2] =	dma.local @!p0 [hbm:s0], s1  }
0xdd: {  	s0 =	simm.s32 @!p0 $0x2  }
0xde: {  	_ =	swait.ge @!p0 [sflag:s0], s1  }
0xdf: {  	s1 =	ssub.s32 @!p0 $0x0, s1;
	[sflag:s0] =	ssyncset.done @!p0 $0x0  }
0xe0: {  	[sflag:s0] =	ssyncadd.s32 @!p0 s1  }
0xe1: {  	[bflag:$0x3] =	sbarrier.arrive $0xFFFF  }
0xe2: {  	_ =	shalt  }

// kernel: sparse-core-data-format-call.1.cloned.1.call-start
scs
called_computation.1_lowered:
.L_overlay_start_0:
0x0: {  	s2 =	sld [smem:$0x3FD9]  }
0x1: {  	s3 =	sld [smem:$0x3FFE];
	_ =	sdelay $0x1  }
0x2: {  	s1 =	srdreg.scid  }
0x3: {  	s0 =	sand.u32 $0x1, s1  }
0x4: {  	s18 =	sshll.u32 s0, $0xA;
	s2 =	sadd.s32 s3, s2  }
0x5: {  	s2 =	sadd.s32 s2, s18  }
0x6: {  	[smem:$0x3FBF] =	sst s2  }
0x7: {  	_ = 	snop  }
0x8: {  	(tm) =	ssettm $0x1  }
0x9: {  	s19 =	sld [smem:$0x3FFB];
	_ =	sdelay $0x3  }
0xa: {  	_ =	strace s19  }
0xb: {  	s2 =	sld [smem:$0x3FFC];
	_ =	sdelay $0x3  }
0xc: {  	_ =	strace s2  }
0xd: {  	s2 =	sld [smem:$0x3FFD];
	_ =	sdelay $0x3  }
0xe: {  	_ =	strace s2  }
0xf: {  	_ =	strace $0x8FFFFFFF  }
0x10: {  	s20 =	sld [smem:$0x3FDB];
	_ =	sdelay $0x1  }
0x11: {  	s21 =	simm.s32 $_scs_section_size  }
0x12: {  	s4 =	simm.s32 $_size__tile_overlayer_lowered;
	s5 =	simm.s32 $_tile_overlayer_lowered  }
0x13: {  	s6 =	simm.s32 $0x1BFF;
	s22 =	sshll.u32 s5, $0x1;
	s3 =	sadd.s32 s21, s20  }
0x14: {  	s23 =	simm.s32 $0x0;
	s4 =	sshll.u32 s4, $0x1;
	s5 =	sadd.s32 s22, s3  }
0x15: {  	[timem:s23], [sflag:s6] =	dma.local [hbm:s5], s4  }
0x16: {  	_ =	swait.ge [sflag:s6], s4  }
0x17: {  	s4 =	ssub.s32 $0x0, s4;
	[sflag:s6] =	ssyncset.done $0x0  }
0x18: {  	[sflag:s6] =	ssyncadd.s32 s4;
	_ =	sdelay $0x1  }
0x19: {  	s24 =	simm.s32 $0x1B8B  }
0x1a: {  	_ =	swait.ge [sflag:s24], $0x1  }
0x1b: {  	[sflag:s24] =	ssyncset.done $0x0  }
0x1c: {  	[sflag:s24] =	ssyncadd.s32 $0xFFFFFFFF  }
0x1d: {  	s4 =	sld [smem:$0x0]  }
0x1e: {  	s5 =	sand.u32 $0xFFFFFFFE, s1  }
0x1f: {  	p0 =	sne.s32 s1, s5  }
0x20: {  	s5 =	sshll.u32 @p0 s5, $0xE  }
0x21: {  	s5 =	sadd.s32 @p0 $0x11B8D, s5;
	s6 =	sshll.u32 @p0 s4, $0x11  }
0x22: {  	s5 =	sor.u32 @p0 s6, s5  }
0x23: {  	[sflag:s5] =	ssyncadd.remote.s32 @p0 $0x1;
	_ =	sdelay $0x1  }
0x24: {  	s5 =	simm.s32 @p0 $0x1B8D  }
0x25: {  	_ =	swait.eq @p0 [sflag:s5], $0x1  }
0x26: {  	[sflag:s5] =	ssyncadd.s32 @p0 $0xFFFFFFFF  }
0x27: {  	s6 =	sshll.u32 @!p0 s1, $0xE  }
0x28: {  	s6 =	sor.u32 @!p0 $0x4000, s6;
	s5 =	simm.s32 @!p0 $0x1B8D  }
0x29: {  	s4 =	sshll.u32 @!p0 s4, $0x11;
	s6 =	sadd.s32 @!p0 $0x11B8D, s6;
	_ =	swait.eq @!p0 [sflag:s5], $0x1  }
0x2a: {  	s4 =	sor.u32 @!p0 s4, s6;
	[sflag:s5] =	ssyncadd.s32 @!p0 $0xFFFFFFFF  }
0x2b: {  	s26 =	simm.s32 $0x1B8E;
	s25 =	sld [smem:$0x3FFE];
	[sflag:s4] =	ssyncadd.remote.s32 @!p0 $0x1  }
0x2c: {  	s27 =	simm.s32 $execute0_lowered;
	[smem:$0x3FD2] =	sst s26  }
0x2d: {  	s5 =	sshll.u32 s27, $0x1;
	_ =	strace $0x80000049;
	[dreg:$0x1] =	wrdreg $0xFFFFFFFF  }
0x2e: {  	s28 =	simm.s32 $_size_execute0_lowered;
	s3 =	sadd.s32 s3, s5;
	[dreg:$0x0] =	wrdreg $0x0  }
0x2f: {  	s5 =	sshll.u32 s28, $0x1;
	[dreg:$0x2] =	wrdreg s3  }
0x30: {  	[dreg:$0x3] =	wrdreg s5  }
0x31: {  	[dreg:$0x4] =	wrdreg $0xC0  }
0x32: {  	_ =	task [dreg:s23], $0x5FFFF  }
0x33: {  	[dreg:$0x1] =	wrdreg $0xFFFFFFFF  }
0x34: {  	[dreg:$0x0] =	wrdreg $0x60  }
0x35: {  	[dreg:$0x2] =	wrdreg s25  }
0x36: {  	[dreg:$0x3] =	wrdreg $0x9  }
0x37: {  	_ =	task.clear_ibuf [dreg:s23], $0x4FFFF;
	_ =	strace $0x90000049  }
0x38: {  	s29 =	simm.s32 $0x9;
	_ =	strace $0x8000004B  }
0x39: {  	_ =	swait.ge [sflag:s29], $0x1  }
0x3a: {  	[sflag:s29] =	ssyncadd.s32 $0xFFFFFFFF  }
0x3b: {  	_ =	strace $0x9000004B  }
0x3c: {  	_ =	sfence  }
0x3d: {  	s30 =	sld [smem:$0x0];
	_ =	sdelay $0x2  }
0x3e: {  	s31 =	sshll.u32 s1, $0xD;
	s1 =	sshrl.u32 s1, $0x2  }
0x3f: {  	s4 =	sand.u32 $0x4000, s31;
	s1 =	sadd.s32 s1, s30  }
0x40: {  	s0 =	sor.u32 s4, s0;
	s1 =	sshll.u32 s1, $0x11  }
0x41: {  	s0 =	sor.u32 s1, s0  }
0x42: {  	s0 =	sadd.s32 $0x8F2B, s0  }
0x43: {  	[sflag:s0] =	ssyncadd.remote.s32 $0x1  }
0x44: {  	_ =	sfence.sel $0xFFFF  }
0x45: {  	[dreg:$0x0] =	wrdreg $0xFFFFFFFF;
	(pc) =	sbr.abs _section_cstart, $3  }
0x46: {  	[dreg:$0x1] =	wrdreg $0xFFFFFFFF  }
0x47: {  	_ =	task.clear_ibuf [dreg:s23], $0x2FFFF;
	_ =	strace $0x9FFFFFFF  }
0x48: {  	(tm) =	ssettm $0x7FFFFFFF  }
0x49: {  	_ =	shalt  }
tec
execute0_lowered:
.L_overlay_start_1:
0x0: {  	(tag) =	ssettag $0x1  }
0x1: {  	s0 =	srdreg.scid  }
0x2: {  	s1 =	sshll.u32 s0, $0x4  }
0x3: {  	s4 =	rddreg [dreg:$0x0];
	s0 =	stileid.u32;
	s1 =	sand.u32 $0x10, s1  }
0x4: {  	s7 =	simm.s32 $0x1;
	s8 =	simm.s32 $0x2;
	s2 =	sor.u32 s0, s1  }
0x5: {  	s9 =	simm.s32 $0x0;
	s12 =	simm.s32 $0x0;
	s2 =	sshll.u32 s2, $0x4  }
0x6: {  	s11 =	simm.s32 $0x0;
	s3 =	sadd.s32 $0x105400, s4;
	s6 =	ssub.s32 $0x3400, s2  }
.Ltmp0:
0x7: {  	s4 =	sadd.s32 $0x2A5400, s4;
	s5 =	sand.u32 $0x1F0, s6;
	(pc) =	sbr.rel .LBB1_1-.Ltmp0, $4  }
0x8: {  	s1 =	rddreg [dreg:$0x1];
	_ =	strace $0x8000004A;
	p0 =	sne.s32 s5, $0x0  }
0x9: {  	s6 =	sshrl.u32 s6, $0x9;
	s5 =	simm.s32 $0x1;
	s7 =	simm.s32 @!p0 $0x0  }
0xa: {  	s10 =	smov.u32 s2;
	[sflag:s5] =	ssyncpa.u1 $0x0;
	s6 =	sadd.s32 s7, s6  }
0xb: {  	[sflag:s8] =	ssyncpa.u1 $0x0;
	s8 =	simm.s32 $0x0;
	s7 =	sadd.s32 $0x1, s6  }
.LBB1_7:
0xc: {  	s14 =	sadd.s32 $0x200, s10  }
0xd: {  	p1 =	sgt.s32 s14, $0x33FF  }
0xe: {  	s14 =	smov.u32 @p1 s2;
	p1 =	sne.s32 s11, s7  }
.Ltmp1:
0xf: {  	p0 =	slt.u32 s11, $0x2;
	(pc) =	sbr.rel @!p1 .LBB1_8-.Ltmp1, $4  }
0x10: {  	s13 =	simm.s32 @!p0 $0x2  }
0x11: {  	s15 =	sadd.s32 $0x1, s11;
	_ =	swait.ge @!p0 [sflag:s13], $0x4000  }
0x12: {  	s12 =	smov.u32 s10;
	s9 =	sadd.s32 $0x8000, s9;
	[sflag:s13] =	ssyncset.done @!p0 $0x0  }
0x13: {  	s11 =	smov.u32 s15;
	s10 =	smov.u32 s14;
	[sflag:s13] =	ssyncadd.s32 @!p0 $0xFFFFC000  }
.LBB1_1:
0x14: {  	p0 =	sge.u32 s11, s6  }
0x15: {  	s13 =	sxor.u32 @!p0 $0xFFFFFFFF, s11  }
0x16: {  	s31 =	sadd.s32 $0xFFFFFFFF, s11;
	s14 =	sshll.u32 @!p0 s10, $0x7;
	s13 =	sshll.u32 @!p0 s13, $0xE  }
0x17: {  	s15 =	simm.s32 @!p0 $0x0;
	s14 =	sadd.s32 @!p0 s3, s14;
	s13 =	sand.u32 @!p0 $0x4000, s13  }
0x18: {  	[tilespmem:s13], [sflag:$0x1] =	stream.linear.gather @!p0 [hbm4b:s14+s15], $0x4000, $0x38;
	[tilespmem:$0x10000] =	vst v63  }
0x19: {  	p0 =	sge.u32 s31, s6  }
.Ltmp2:
0x1a: {  	_ = 	snop;
	(pc) =	sbr.rel @p0 .LBB1_7-.Ltmp2, $1  }
0x1b: {  	_ =	sdelay $0x3  }
0x1c: {  	s13 =	sshrl.u32 s9, $0x1;
	_ =	swait.ge [sflag:s5], $0x4000  }
0x1d: {  	s15 =	sshll.u32 s11, $0xE;
	s16 =	simm.s32 $0x0;
	s14 =	sand.u32 $0x4000, s13  }
0x1e: {  	[sflag:s5] =	ssyncset.done $0x0;
	s15 =	sand.u32 $0x4000, s15;
	s13 =	sor.u32 $0x200, s14  }
0x1f: {  	s14 =	sor.u32 $0x8080, s14;
	[sflag:s5] =	ssyncadd.s32 $0xFFFFC000;
	s15 =	sor.u32 $0x8000, s15  }
.LBB1_3:
0x20: {  	v0 =	vld [tilespmem:s13+$0xFFFFFE70]  }
0x21: {  	v1 =	vld [tilespmem:s13+$0x70]  }
0x22: {  	v2 =	vld [tilespmem:s13+$0x0]  }
0x23: {  	v3 =	vld [tilespmem:s13+$0xFFFFFE10]  }
0x24: {  	v4 =	vld [tilespmem:s13+$0x10]  }
0x25: {  	v5 =	vld [tilespmem:s13+$0xFFFFFE20]  }
0x26: {  	v7 =	vld [tilespmem:s13+$0x20]  }
0x27: {  	v11 =	vld [tilespmem:s13+$0x30];
	v6 =	vunpack.i.l.s16.s32 v0;
	v8 =	vunpack.i.u.s16.s32 v0;
	v9 =	vunpack.i.u.s16.s32 v1  }
0x28: {  	v10 =	vunpack.i.l.s16.s32 v1;
	v0 =	vunpack.i.u.s16.s32 v2;
	v1 =	vunpack.i.l.s16.s32 v2;
	v2 =	vld [tilespmem:s13+$0xFFFFFE30]  }
0x29: {  	v8 =	vpack.i.b32.b16 v9, v8;
	v9 =	vunpack.i.u.s16.s32 v3;
	v3 =	vunpack.i.l.s16.s32 v3  }
0x2a: {  	v12 =	vld [tilespmem:s13+$0xFFFFFE40];
	v6 =	vpack.i.b32.b16 v10, v6;
	[tilespmem:s14+$0x70] =	vst v8;
	v8 =	vunpack.i.u.s16.s32 v4;
	v4 =	vunpack.i.l.s16.s32 v4  }
0x2b: {  	v13 =	vld [tilespmem:s13+$0x40];
	v10 =	vunpack.i.u.s16.s32 v5;
	v5 =	vunpack.i.l.s16.s32 v5;
	[tilespmem:s14+$0xFFFFFFF0] =	vst v6;
	v3 =	vpack.i.b32.b16 v4, v3  }
0x2c: {  	v6 =	vunpack.i.l.s16.s32 v7;
	v4 =	vld [tilespmem:s13+$0xFFFFFE50];
	[tilespmem:s14+$0xFFFFFF90] =	vst v3;
	v3 =	vpack.i.b32.b16 v8, v9;
	v8 =	vunpack.i.u.s16.s32 v7  }
0x2d: {  	v7 =	vunpack.i.l.s16.s32 v11;
	[tilespmem:s14+$0x10] =	vst v3;
	v3 =	vpack.i.b32.b16 v6, v5;
	v9 =	vunpack.i.u.s16.s32 v2;
	v6 =	vld [tilespmem:s13+$0x50]  }
0x2e: {  	v5 =	vunpack.i.l.s16.s32 v2;
	v2 =	vld [tilespmem:s13+$0xFFFFFE60];
	[tilespmem:s14+$0xFFFFFFA0] =	vst v3;
	v3 =	vpack.i.b32.b16 v8, v10;
	v10 =	vunpack.i.u.s16.s32 v11  }
0x2f: {  	s19 =	simm.s32 $0x0;
	v11 =	vpack.i.b32.b16 v7, v5;
	v7 =	vunpack.i.u.s16.s32 v12;
	v8 =	vunpack.i.l.s16.s32 v12;
	[tilespmem:s14+$0x20] =	vst v3;
	v3 =	vld [tilespmem:s13+$0x60]  }
0x30: {  	s20 =	sadd.s32 $0x80, s13;
	s18 =	smov.u32 s14;
	s17 =	smov.u32 s14;
	v5 =	vld [tilespmem:s13+$0xFFFFFE00];
	[tilespmem:s14+$0xFFFFFFB0] =	vst v11;
	v10 =	vpack.i.b32.b16 v10, v9;
	v9 =	vunpack.i.u.s16.s32 v13;
	v11 =	vunpack.i.l.s16.s32 v13  }
.LBB1_4:
0x31: {  	v12 =	vld [tilespmem:s20+$0xFFFFFE70];
	[tilespmem:s18+$0x30] =	vst v10;
	v8 =	vpack.i.b32.b16 v11, v8;
	v10 =	vunpack.i.u.s16.s32 v4;
	v4 =	vunpack.i.l.s16.s32 v4  }
0x32: {  	s19 =	sadd.s32 $0x2, s19;
	v7 =	vpack.i.b32.b16 v9, v7;
	v11 =	vld [tilespmem:s20+$0x70];
	[tilespmem:s18+$0xFFFFFFC0] =	vst v8;
	v8 =	vunpack.i.u.s16.s32 v6;
	v6 =	vunpack.i.l.s16.s32 v6  }
0x33: {  	p0 =	slt.u32 s19, $0x6;
	v9 =	vld [tilespmem:s20+$0x0];
	[tilespmem:s18+$0x40] =	vst v7;
	v4 =	vpack.i.b32.b16 v6, v4;
	v6 =	vunpack.i.u.s16.s32 v2;
	v2 =	vunpack.i.l.s16.s32 v2  }
0x34: {  	v7 =	vld [tilespmem:s20+$0xFFFFFE10];
	[tilespmem:s18+$0xFFFFFFD0] =	vst v4;
	v4 =	vpack.i.b32.b16 v8, v10;
	v8 =	vunpack.i.u.s16.s32 v3;
	v3 =	vunpack.i.l.s16.s32 v3  }
0x35: {  	v10 =	vld [tilespmem:s20+$0x10];
	v13 =	vunpack.i.u.s16.s32 v5;
	v5 =	vunpack.i.l.s16.s32 v5;
	[tilespmem:s18+$0x50] =	vst v4;
	v2 =	vpack.i.b32.b16 v3, v2  }
0x36: {  	v3 =	vld [tilespmem:s20+$0xFFFFFE20];
	v4 =	vunpack.i.l.s16.s32 v12;
	v1 =	vpack.i.b32.b16 v1, v5;
	v5 =	vpack.i.b32.b16 v0, v13;
	[tilespmem:s18+$0xFFFFFFE0] =	vst v2  }
0x37: {  	v12 =	vunpack.i.u.s16.s32 v12;
	v2 =	vld [tilespmem:s20+$0x20];
	v13 =	vunpack.i.u.s16.s32 v11;
	v11 =	vunpack.i.l.s16.s32 v11;
	[tilespmem:s18+$0xFFFFFF80] =	vst v1  }
0x38: {  	s18 =	sadd.s32 $0x100, s18;
	v0 =	vunpack.i.u.s16.s32 v9;
	v1 =	vunpack.i.l.s16.s32 v9;
	v9 =	vld [tilespmem:s20+$0xFFFFFE30];
	v12 =	vpack.i.b32.b16 v13, v12;
	[tilespmem:s17+$0x0] =	vst v5  }
0x39: {  	v6 =	vpack.i.b32.b16 v8, v6;
	v5 =	vunpack.i.u.s16.s32 v7;
	v7 =	vunpack.i.l.s16.s32 v7;
	v13 =	vld [tilespmem:s20+$0x30];
	[tilespmem:s18+$0x70] =	vst v12  }
0x3a: {  	v4 =	vpack.i.b32.b16 v11, v4;
	v8 =	vunpack.i.u.s16.s32 v10;
	v10 =	vunpack.i.l.s16.s32 v10;
	v12 =	vld [tilespmem:s20+$0xFFFFFE40];
	[tilespmem:s17+$0x60] =	vst v6;
	s17 =	smov.u32 s18  }
0x3b: {  	v6 =	vpack.i.b32.b16 v10, v7;
	v7 =	vunpack.i.u.s16.s32 v3;
	v3 =	vunpack.i.l.s16.s32 v3;
	v11 =	vld [tilespmem:s20+$0x40];
	[tilespmem:s18+$0xFFFFFFF0] =	vst v4  }
.Ltmp3:
0x3c: {  	v5 =	vpack.i.b32.b16 v8, v5;
	[tilespmem:s18+$0xFFFFFF90] =	vst v6;
	v8 =	vunpack.i.u.s16.s32 v2;
	v2 =	vunpack.i.l.s16.s32 v2;
	v4 =	vld [tilespmem:s20+$0xFFFFFE50];
	(pc) =	sbr.rel @p0 .LBB1_4-.Ltmp3, $4  }
0x3d: {  	[tilespmem:s18+$0x10] =	vst v5;
	v2 =	vpack.i.b32.b16 v2, v3;
	v10 =	vunpack.i.u.s16.s32 v9;
	v3 =	vunpack.i.l.s16.s32 v9;
	v6 =	vld [tilespmem:s20+$0x50]  }
0x3e: {  	v5 =	vpack.i.b32.b16 v8, v7;
	[tilespmem:s18+$0xFFFFFFA0] =	vst v2;
	v9 =	vunpack.i.u.s16.s32 v13;
	v7 =	vunpack.i.l.s16.s32 v13;
	v2 =	vld [tilespmem:s20+$0xFFFFFE60]  }
0x3f: {  	[tilespmem:s18+$0x20] =	vst v5;
	v13 =	vpack.i.b32.b16 v7, v3;
	v7 =	vunpack.i.u.s16.s32 v12;
	v8 =	vunpack.i.l.s16.s32 v12;
	v3 =	vld [tilespmem:s20+$0x60]  }
0x40: {  	v10 =	vpack.i.b32.b16 v9, v10;
	v5 =	vld [tilespmem:s20+$0xFFFFFE00];
	[tilespmem:s18+$0xFFFFFFB0] =	vst v13;
	v9 =	vunpack.i.u.s16.s32 v11;
	v11 =	vunpack.i.l.s16.s32 v11;
	s20 =	sadd.s32 $0x80, s20  }
0x41: {  	[tilespmem:s18+$0x30] =	vst v10;
	v8 =	vpack.i.b32.b16 v11, v8  }
0x42: {  	v51 =	vunpack.i.l.s16.s32 v4;
	v7 =	vpack.i.b32.b16 v9, v7;
	[tilespmem:s18+$0xFFFFFFC0] =	vst v8;
	v52 =	vunpack.i.l.s16.s32 v6  }
0x43: {  	v53 =	vunpack.i.u.s16.s32 v4;
	s16 =	sadd.s32 $0x1, s16;
	v54 =	vunpack.i.u.s16.s32 v6;
	[tilespmem:s18+$0x40] =	vst v7;
	v55 =	vpack.i.b32.b16 v52, v51  }
0x44: {  	p0 =	sne.s32 s16, $0x10;
	v56 =	vunpack.i.l.s16.s32 v2;
	v4 =	vpack.i.b32.b16 v54, v53;
	[tilespmem:s18+$0xFFFFFFD0] =	vst v55;
	v57 =	vunpack.i.l.s16.s32 v3  }
.Ltmp4:
0x45: {  	[tilespmem:s18+$0x50] =	vst v4;
	v58 =	vunpack.i.l.s16.s32 v5;
	v59 =	vpack.i.b32.b16 v57, v56;
	(pc) =	sbr.rel @p0 .LBB1_3-.Ltmp4, $4  }
0x46: {  	v61 =	vunpack.i.u.s16.s32 v2;
	v62 =	vunpack.i.u.s16.s32 v3;
	v1 =	vpack.i.b32.b16 v1, v58;
	[tilespmem:s18+$0xFFFFFFE0] =	vst v59  }
0x47: {  	v60 =	vunpack.i.u.s16.s32 v5;
	v63 =	vpack.i.b32.b16 v62, v61;
	[tilespmem:s18+$0xFFFFFF80] =	vst v1  }
0x48: {  	v0 =	vpack.i.b32.b16 v0, v60;
	[tilespmem:s17+$0x60] =	vst v63  }
0x49: {  	s13 =	sadd.s32 $0x400, s13;
	s14 =	sadd.s32 $0x400, s14;
	[tilespmem:s17+$0x0] =	vst v0  }
.Ltmp5:
0x4a: {  	(pc) =	sbr.rel .LBB1_7-.Ltmp5, $4  }
0x4b: {  	_ = 	snop  }
0x4c: {  	s12 =	sshll.u32 s12, $0x7  }
0x4d: {  	s12 =	sadd.s32 s4, s12  }
0x4e: {  	[hbm4b:s12+s8] =	stream.linear.scatter [tilespmem:s15], [sflag:$0x2], $0x4000, $0x38;
	[tilespmem:$0x10000] =	vst v63  }
.LBB1_8:
0x4f: {  	_ =	sfence.sel $0x180000  }
0x50: {  	s2 =	simm.s32 $0x1;
	[bflag:$0x0] =	sbarrier.arrive $0xFFFF  }
0x51: {  	s31 =	simm.s32 $0x2;
	[sflag:s2] =	ssyncpa.u1 $0x1  }
0x52: {  	[sflag:s31] =	ssyncpa.u1 $0x1  }
0x53: {  	p0 =	sne.s32 s0, $0x0;
	_ =	strace $0x9000004A  }
0x54: {  	s0 =	sadd.s32 @!p0 $0x100000, s1;
	[bflag:$0x2] =	sbarrier.arrive $0xFFFF  }
0x55: {  	[sflag:s0] =	ssyncadd.tile.s32 @!p0 $0x1;
	_ =	shalt  }
.Lfunc_end1:
_tile_overlayer_lowered:
.L_overlay_start_2:
0x56: {  	(tag) =	ssettag $0x2  }
0x57: {  	s0 =	rddreg [dreg:$0x0];
	s2 =	stileid.u32  }
0x58: {  	s1 =	rddreg [dreg:$0x1];
	p0 =	sne.s32 s2, $0x0  }
0x59: {  	s3 =	rddreg [dreg:$0x2];
	[bflag:$0x3] =	sbarrier.arrive $0xFFFF;
	s2 =	simm.s32 @!p0 $0x1C01  }
0x5a: {  	[timem:s3], [sflag:s2] =	dma.local @!p0 [hbm:s0], s1  }
0x5b: {  	s0 =	simm.s32 @!p0 $0x1  }
0x5c: {  	_ =	swait.ge @!p0 [sflag:s0], s1  }
0x5d: {  	s1 =	ssub.s32 @!p0 $0x0, s1;
	[sflag:s0] =	ssyncset.done @!p0 $0x0  }
0x5e: {  	[sflag:s0] =	ssyncadd.s32 @!p0 s1  }
0x5f: {  	[bflag:$0x3] =	sbarrier.arrive $0xFFFF  }
0x60: {  	_ =	shalt  }

// kernel: sparse-core-data-format-call.cloned.1.call-start
scs
called_computation_lowered:
.L_overlay_start_0:
0x0: {  	s2 =	sld [smem:$0x3FD9]  }
0x1: {  	s3 =	sld [smem:$0x3FFE];
	_ =	sdelay $0x1  }
0x2: {  	s1 =	srdreg.scid  }
0x3: {  	s0 =	sand.u32 $0x1, s1  }
0x4: {  	s18 =	sshll.u32 s0, $0xA;
	s2 =	sadd.s32 s3, s2  }
0x5: {  	s2 =	sadd.s32 s2, s18  }
0x6: {  	[smem:$0x3FBF] =	sst s2  }
0x7: {  	_ = 	snop  }
0x8: {  	s2 =	sld [smem:$0x3FD0];
	(tm) =	ssettm $0x1  }
0x9: {  	s19 =	sld [smem:$0x3FFB];
	_ =	sdelay $0x3  }
0xa: {  	_ =	strace s19  }
0xb: {  	s3 =	sld [smem:$0x3FFC];
	_ =	sdelay $0x3  }
0xc: {  	_ =	strace s3  }
0xd: {  	s3 =	sld [smem:$0x3FFD];
	_ =	sdelay $0x3  }
0xe: {  	_ =	strace s3  }
0xf: {  	_ =	strace $0x8FFFFFFF  }
0x10: {  	s20 =	sld [smem:$0x3FDB];
	_ =	sdelay $0x1  }
0x11: {  	s4 =	simm.s32 $_scs_section_size  }
0x12: {  	s5 =	simm.s32 $_size__tile_overlayer_lowered;
	s6 =	simm.s32 $_tile_overlayer_lowered  }
0x13: {  	s23 =	simm.s32 $0x1BFF;
	s22 =	sshll.u32 s6, $0x1;
	s3 =	sadd.s32 s4, s20  }
0x14: {  	s7 =	simm.s32 $0x0;
	s21 =	sshll.u32 s5, $0x1;
	s5 =	sadd.s32 s22, s3  }
0x15: {  	[timem:s7], [sflag:s23] =	dma.local [hbm:s5], s21  }
0x16: {  	_ =	swait.ge [sflag:s23], s21  }
0x17: {  	s4 =	ssub.s32 $0x0, s21;
	[sflag:s23] =	ssyncset.done $0x0  }
0x18: {  	[sflag:s23] =	ssyncadd.s32 s4;
	_ =	sdelay $0x1  }
0x19: {  	s24 =	simm.s32 $0x1B8B  }
0x1a: {  	_ =	swait.ge [sflag:s24], $0x1  }
0x1b: {  	[sflag:s24] =	ssyncset.done $0x0  }
0x1c: {  	s26 =	simm.s32 $0x1B8E;
	s25 =	sld [smem:$0x3FFE];
	[sflag:s24] =	ssyncadd.s32 $0xFFFFFFFF  }
0x1d: {  	s27 =	simm.s32 $execute0_lowered;
	[smem:$0x3FD2] =	sst s26  }
0x1e: {  	s5 =	sshll.u32 s27, $0x1;
	_ =	strace $0x80000046;
	[dreg:$0x1] =	wrdreg $0xFFFFFFFF  }
0x1f: {  	s28 =	simm.s32 $_size_execute0_lowered;
	s3 =	sadd.s32 s3, s5;
	[dreg:$0x0] =	wrdreg $0x0  }
0x20: {  	s5 =	sshll.u32 s28, $0x1;
	[dreg:$0x2] =	wrdreg s3  }
0x21: {  	[dreg:$0x3] =	wrdreg s5  }
0x22: {  	[dreg:$0x4] =	wrdreg $0xC0  }
0x23: {  	_ =	task [dreg:s7], $0x5FFFF  }
0x24: {  	[dreg:$0x1] =	wrdreg $0xFFFFFFFF  }
0x25: {  	[dreg:$0x0] =	wrdreg $0x60  }
0x26: {  	[dreg:$0x2] =	wrdreg s2  }
0x27: {  	[dreg:$0x3] =	wrdreg s25  }
0x28: {  	[dreg:$0x4] =	wrdreg $0xA  }
0x29: {  	_ =	task.clear_ibuf [dreg:s7], $0x5FFFF;
	_ =	strace $0x90000046  }
0x2a: {  	s29 =	simm.s32 $0xA;
	_ =	strace $0x80000048  }
0x2b: {  	_ =	swait.ge [sflag:s29], $0x1  }
0x2c: {  	[sflag:s29] =	ssyncadd.s32 $0xFFFFFFFF  }
0x2d: {  	_ =	strace $0x90000048  }
0x2e: {  	_ =	sfence  }
0x2f: {  	s30 =	sld [smem:$0x0];
	_ =	sdelay $0x2  }
0x30: {  	s31 =	sshll.u32 s1, $0xD;
	s1 =	sshrl.u32 s1, $0x2  }
0x31: {  	s3 =	sand.u32 $0x4000, s31;
	s1 =	sadd.s32 s1, s30  }
0x32: {  	s0 =	sor.u32 s3, s0;
	s1 =	sshll.u32 s1, $0x11  }
0x33: {  	s0 =	sor.u32 s1, s0  }
0x34: {  	s0 =	sadd.s32 $0x8F2B, s0  }
0x35: {  	[sflag:s0] =	ssyncadd.remote.s32 $0x1  }
0x36: {  	_ =	sfence.sel $0xFFFF  }
0x37: {  	[dreg:$0x0] =	wrdreg $0xFFFFFFFF;
	(pc) =	sbr.abs _section_cstart, $3  }
0x38: {  	[dreg:$0x1] =	wrdreg $0xFFFFFFFF  }
0x39: {  	_ =	task.clear_ibuf [dreg:s7], $0x2FFFF;
	_ =	strace $0x9FFFFFFF  }
0x3a: {  	(tm) =	ssettm $0x7FFFFFFF  }
0x3b: {  	_ =	shalt  }
tec
execute0_lowered:
.L_overlay_start_1:
0x0: {  	(tag) =	ssettag $0x1  }
0x1: {  	s0 =	srdreg.scid  }
0x2: {  	s1 =	sshll.u32 s0, $0x4  }
0x3: {  	s2 =	rddreg [dreg:$0x0];
	s0 =	stileid.u32;
	s1 =	sand.u32 $0x10, s1  }
0x4: {  	s4 =	rddreg [dreg:$0x1];
	s7 =	simm.s32 $0x1;
	s1 =	sor.u32 s0, s1  }
0x5: {  	s8 =	simm.s32 $0x2;
	s9 =	simm.s32 $0x0;
	s3 =	sshll.u32 s1, $0x4  }
0x6: {  	s12 =	simm.s32 $0x0;
	s11 =	simm.s32 $0x0;
	s6 =	ssub.s32 $0x2080, s3  }
.Ltmp0:
0x7: {  	s4 =	sadd.s32 $0x1400, s4;
	s5 =	sand.u32 $0x1F0, s6;
	(pc) =	sbr.rel .LBB1_1-.Ltmp0, $4  }
0x8: {  	s1 =	rddreg [dreg:$0x2];
	_ =	strace $0x80000047;
	p0 =	sne.s32 s5, $0x0  }
0x9: {  	s6 =	sshrl.u32 s6, $0x9;
	s5 =	simm.s32 $0x1;
	s7 =	simm.s32 @!p0 $0x0  }
0xa: {  	s10 =	smov.u32 s3;
	[sflag:s5] =	ssyncpa.u1 $0x0;
	s6 =	sadd.s32 s7, s6  }
0xb: {  	[sflag:s8] =	ssyncpa.u1 $0x0;
	s8 =	simm.s32 $0x0;
	s7 =	sadd.s32 $0x1, s6  }
.LBB1_7:
0xc: {  	s14 =	sadd.s32 $0x200, s10  }
0xd: {  	p1 =	sgt.s32 s14, $0x207F  }
0xe: {  	s14 =	smov.u32 @p1 s3;
	p1 =	sne.s32 s11, s7  }
.Ltmp1:
0xf: {  	p0 =	slt.u32 s11, $0x2;
	(pc) =	sbr.rel @!p1 .LBB1_8-.Ltmp1, $4  }
0x10: {  	s13 =	simm.s32 @!p0 $0x2  }
0x11: {  	s15 =	sadd.s32 $0x1, s11;
	_ =	swait.ge @!p0 [sflag:s13], $0x4000  }
0x12: {  	s12 =	smov.u32 s10;
	s9 =	sadd.s32 $0x8000, s9;
	[sflag:s13] =	ssyncset.done @!p0 $0x0  }
0x13: {  	s11 =	smov.u32 s15;
	s10 =	smov.u32 s14;
	[sflag:s13] =	ssyncadd.s32 @!p0 $0xFFFFC000  }
.LBB1_1:
0x14: {  	p0 =	sge.u32 s11, s6  }
0x15: {  	s13 =	sxor.u32 @!p0 $0xFFFFFFFF, s11  }
0x16: {  	s31 =	sadd.s32 $0xFFFFFFFF, s11;
	s14 =	sshll.u32 @!p0 s10, $0x7;
	s13 =	sshll.u32 @!p0 s13, $0xE  }
0x17: {  	s15 =	simm.s32 @!p0 $0x0;
	s14 =	sadd.s32 @!p0 s2, s14;
	s13 =	sand.u32 @!p0 $0x4000, s13  }
0x18: {  	[tilespmem:s13], [sflag:$0x1] =	stream.linear.gather @!p0 [hbm4b:s14+s15], $0x4000, $0x38;
	[tilespmem:$0x10000] =	vst v63  }
0x19: {  	p0 =	sge.u32 s31, s6  }
.Ltmp2:
0x1a: {  	_ = 	snop;
	(pc) =	sbr.rel @p0 .LBB1_7-.Ltmp2, $1  }
0x1b: {  	_ =	sdelay $0x3  }
0x1c: {  	s13 =	sshrl.u32 s9, $0x1;
	_ =	swait.ge [sflag:s5], $0x4000  }
0x1d: {  	s15 =	sshll.u32 s11, $0xE;
	s16 =	simm.s32 $0x0;
	s14 =	sand.u32 $0x4000, s13  }
0x1e: {  	[sflag:s5] =	ssyncset.done $0x0;
	s15 =	sand.u32 $0x4000, s15;
	s13 =	sor.u32 $0x200, s14  }
0x1f: {  	s14 =	sor.u32 $0x8080, s14;
	[sflag:s5] =	ssyncadd.s32 $0xFFFFC000;
	s15 =	sor.u32 $0x8000, s15  }
.LBB1_3:
0x20: {  	v0 =	vld [tilespmem:s13+$0xFFFFFE70]  }
0x21: {  	v1 =	vld [tilespmem:s13+$0x70]  }
0x22: {  	v2 =	vld [tilespmem:s13+$0x0]  }
0x23: {  	v3 =	vld [tilespmem:s13+$0xFFFFFE10]  }
0x24: {  	v4 =	vld [tilespmem:s13+$0x10]  }
0x25: {  	v5 =	vld [tilespmem:s13+$0xFFFFFE20]  }
0x26: {  	v7 =	vld [tilespmem:s13+$0x20]  }
0x27: {  	v11 =	vld [tilespmem:s13+$0x30];
	v6 =	vunpack.i.l.s16.s32 v0;
	v8 =	vunpack.i.u.s16.s32 v0;
	v9 =	vunpack.i.u.s16.s32 v1  }
0x28: {  	v10 =	vunpack.i.l.s16.s32 v1;
	v0 =	vunpack.i.u.s16.s32 v2;
	v1 =	vunpack.i.l.s16.s32 v2;
	v2 =	vld [tilespmem:s13+$0xFFFFFE30]  }
0x29: {  	v8 =	vpack.i.b32.b16 v9, v8;
	v9 =	vunpack.i.u.s16.s32 v3;
	v3 =	vunpack.i.l.s16.s32 v3  }
0x2a: {  	v12 =	vld [tilespmem:s13+$0xFFFFFE40];
	v6 =	vpack.i.b32.b16 v10, v6;
	[tilespmem:s14+$0x70] =	vst v8;
	v8 =	vunpack.i.u.s16.s32 v4;
	v4 =	vunpack.i.l.s16.s32 v4  }
0x2b: {  	v13 =	vld [tilespmem:s13+$0x40];
	v10 =	vunpack.i.u.s16.s32 v5;
	v5 =	vunpack.i.l.s16.s32 v5;
	[tilespmem:s14+$0xFFFFFFF0] =	vst v6;
	v3 =	vpack.i.b32.b16 v4, v3  }
0x2c: {  	v6 =	vunpack.i.l.s16.s32 v7;
	v4 =	vld [tilespmem:s13+$0xFFFFFE50];
	[tilespmem:s14+$0xFFFFFF90] =	vst v3;
	v3 =	vpack.i.b32.b16 v8, v9;
	v8 =	vunpack.i.u.s16.s32 v7  }
0x2d: {  	v7 =	vunpack.i.l.s16.s32 v11;
	[tilespmem:s14+$0x10] =	vst v3;
	v3 =	vpack.i.b32.b16 v6, v5;
	v9 =	vunpack.i.u.s16.s32 v2;
	v6 =	vld [tilespmem:s13+$0x50]  }
0x2e: {  	v5 =	vunpack.i.l.s16.s32 v2;
	v2 =	vld [tilespmem:s13+$0xFFFFFE60];
	[tilespmem:s14+$0xFFFFFFA0] =	vst v3;
	v3 =	vpack.i.b32.b16 v8, v10;
	v10 =	vunpack.i.u.s16.s32 v11  }
0x2f: {  	s19 =	simm.s32 $0x0;
	v11 =	vpack.i.b32.b16 v7, v5;
	v7 =	vunpack.i.u.s16.s32 v12;
	v8 =	vunpack.i.l.s16.s32 v12;
	[tilespmem:s14+$0x20] =	vst v3;
	v3 =	vld [tilespmem:s13+$0x60]  }
0x30: {  	s20 =	sadd.s32 $0x80, s13;
	s18 =	smov.u32 s14;
	s17 =	smov.u32 s14;
	v5 =	vld [tilespmem:s13+$0xFFFFFE00];
	[tilespmem:s14+$0xFFFFFFB0] =	vst v11;
	v10 =	vpack.i.b32.b16 v10, v9;
	v9 =	vunpack.i.u.s16.s32 v13;
	v11 =	vunpack.i.l.s16.s32 v13  }
.LBB1_4:
0x31: {  	v12 =	vld [tilespmem:s20+$0xFFFFFE70];
	[tilespmem:s18+$0x30] =	vst v10;
	v8 =	vpack.i.b32.b16 v11, v8;
	v10 =	vunpack.i.u.s16.s32 v4;
	v4 =	vunpack.i.l.s16.s32 v4  }
0x32: {  	s19 =	sadd.s32 $0x2, s19;
	v7 =	vpack.i.b32.b16 v9, v7;
	v11 =	vld [tilespmem:s20+$0x70];
	[tilespmem:s18+$0xFFFFFFC0] =	vst v8;
	v8 =	vunpack.i.u.s16.s32 v6;
	v6 =	vunpack.i.l.s16.s32 v6  }
0x33: {  	p0 =	slt.u32 s19, $0x6;
	v9 =	vld [tilespmem:s20+$0x0];
	[tilespmem:s18+$0x40] =	vst v7;
	v4 =	vpack.i.b32.b16 v6, v4;
	v6 =	vunpack.i.u.s16.s32 v2;
	v2 =	vunpack.i.l.s16.s32 v2  }
0x34: {  	v7 =	vld [tilespmem:s20+$0xFFFFFE10];
	[tilespmem:s18+$0xFFFFFFD0] =	vst v4;
	v4 =	vpack.i.b32.b16 v8, v10;
	v8 =	vunpack.i.u.s16.s32 v3;
	v3 =	vunpack.i.l.s16.s32 v3  }
0x35: {  	v10 =	vld [tilespmem:s20+$0x10];
	v13 =	vunpack.i.u.s16.s32 v5;
	v5 =	vunpack.i.l.s16.s32 v5;
	[tilespmem:s18+$0x50] =	vst v4;
	v2 =	vpack.i.b32.b16 v3, v2  }
0x36: {  	v3 =	vld [tilespmem:s20+$0xFFFFFE20];
	v4 =	vunpack.i.l.s16.s32 v12;
	v1 =	vpack.i.b32.b16 v1, v5;
	v5 =	vpack.i.b32.b16 v0, v13;
	[tilespmem:s18+$0xFFFFFFE0] =	vst v2  }
0x37: {  	v12 =	vunpack.i.u.s16.s32 v12;
	v2 =	vld [tilespmem:s20+$0x20];
	v13 =	vunpack.i.u.s16.s32 v11;
	v11 =	vunpack.i.l.s16.s32 v11;
	[tilespmem:s18+$0xFFFFFF80] =	vst v1  }
0x38: {  	s18 =	sadd.s32 $0x100, s18;
	v0 =	vunpack.i.u.s16.s32 v9;
	v1 =	vunpack.i.l.s16.s32 v9;
	v9 =	vld [tilespmem:s20+$0xFFFFFE30];
	v12 =	vpack.i.b32.b16 v13, v12;
	[tilespmem:s17+$0x0] =	vst v5  }
0x39: {  	v6 =	vpack.i.b32.b16 v8, v6;
	v5 =	vunpack.i.u.s16.s32 v7;
	v7 =	vunpack.i.l.s16.s32 v7;
	v13 =	vld [tilespmem:s20+$0x30];
	[tilespmem:s18+$0x70] =	vst v12  }
0x3a: {  	v4 =	vpack.i.b32.b16 v11, v4;
	v8 =	vunpack.i.u.s16.s32 v10;
	v10 =	vunpack.i.l.s16.s32 v10;
	v12 =	vld [tilespmem:s20+$0xFFFFFE40];
	[tilespmem:s17+$0x60] =	vst v6;
	s17 =	smov.u32 s18  }
0x3b: {  	v6 =	vpack.i.b32.b16 v10, v7;
	v7 =	vunpack.i.u.s16.s32 v3;
	v3 =	vunpack.i.l.s16.s32 v3;
	v11 =	vld [tilespmem:s20+$0x40];
	[tilespmem:s18+$0xFFFFFFF0] =	vst v4  }
.Ltmp3:
0x3c: {  	v5 =	vpack.i.b32.b16 v8, v5;
	[tilespmem:s18+$0xFFFFFF90] =	vst v6;
	v8 =	vunpack.i.u.s16.s32 v2;
	v2 =	vunpack.i.l.s16.s32 v2;
	v4 =	vld [tilespmem:s20+$0xFFFFFE50];
	(pc) =	sbr.rel @p0 .LBB1_4-.Ltmp3, $4  }
0x3d: {  	[tilespmem:s18+$0x10] =	vst v5;
	v2 =	vpack.i.b32.b16 v2, v3;
	v10 =	vunpack.i.u.s16.s32 v9;
	v3 =	vunpack.i.l.s16.s32 v9;
	v6 =	vld [tilespmem:s20+$0x50]  }
0x3e: {  	v5 =	vpack.i.b32.b16 v8, v7;
	[tilespmem:s18+$0xFFFFFFA0] =	vst v2;
	v9 =	vunpack.i.u.s16.s32 v13;
	v7 =	vunpack.i.l.s16.s32 v13;
	v2 =	vld [tilespmem:s20+$0xFFFFFE60]  }
0x3f: {  	[tilespmem:s18+$0x20] =	vst v5;
	v13 =	vpack.i.b32.b16 v7, v3;
	v7 =	vunpack.i.u.s16.s32 v12;
	v8 =	vunpack.i.l.s16.s32 v12;
	v3 =	vld [tilespmem:s20+$0x60]  }
0x40: {  	v10 =	vpack.i.b32.b16 v9, v10;
	v5 =	vld [tilespmem:s20+$0xFFFFFE00];
	[tilespmem:s18+$0xFFFFFFB0] =	vst v13;
	v9 =	vunpack.i.u.s16.s32 v11;
	v11 =	vunpack.i.l.s16.s32 v11;
	s20 =	sadd.s32 $0x80, s20  }
0x41: {  	[tilespmem:s18+$0x30] =	vst v10;
	v8 =	vpack.i.b32.b16 v11, v8  }
0x42: {  	v51 =	vunpack.i.l.s16.s32 v4;
	v7 =	vpack.i.b32.b16 v9, v7;
	[tilespmem:s18+$0xFFFFFFC0] =	vst v8;
	v52 =	vunpack.i.l.s16.s32 v6  }
0x43: {  	v53 =	vunpack.i.u.s16.s32 v4;
	s16 =	sadd.s32 $0x1, s16;
	v54 =	vunpack.i.u.s16.s32 v6;
	[tilespmem:s18+$0x40] =	vst v7;
	v55 =	vpack.i.b32.b16 v52, v51  }
0x44: {  	p0 =	sne.s32 s16, $0x10;
	v56 =	vunpack.i.l.s16.s32 v2;
	v4 =	vpack.i.b32.b16 v54, v53;
	[tilespmem:s18+$0xFFFFFFD0] =	vst v55;
	v57 =	vunpack.i.l.s16.s32 v3  }
.Ltmp4:
0x45: {  	[tilespmem:s18+$0x50] =	vst v4;
	v58 =	vunpack.i.l.s16.s32 v5;
	v59 =	vpack.i.b32.b16 v57, v56;
	(pc) =	sbr.rel @p0 .LBB1_3-.Ltmp4, $4  }
0x46: {  	v61 =	vunpack.i.u.s16.s32 v2;
	v62 =	vunpack.i.u.s16.s32 v3;
	v1 =	vpack.i.b32.b16 v1, v58;
	[tilespmem:s18+$0xFFFFFFE0] =	vst v59  }
0x47: {  	v60 =	vunpack.i.u.s16.s32 v5;
	v63 =	vpack.i.b32.b16 v62, v61;
	[tilespmem:s18+$0xFFFFFF80] =	vst v1  }
0x48: {  	v0 =	vpack.i.b32.b16 v0, v60;
	[tilespmem:s17+$0x60] =	vst v63  }
0x49: {  	s13 =	sadd.s32 $0x400, s13;
	s14 =	sadd.s32 $0x400, s14;
	[tilespmem:s17+$0x0] =	vst v0  }
.Ltmp5:
0x4a: {  	(pc) =	sbr.rel .LBB1_7-.Ltmp5, $4  }
0x4b: {  	_ = 	snop  }
0x4c: {  	s12 =	sshll.u32 s12, $0x7  }
0x4d: {  	s12 =	sadd.s32 s4, s12  }
0x4e: {  	[hbm4b:s12+s8] =	stream.linear.scatter [tilespmem:s15], [sflag:$0x2], $0x4000, $0x38;
	[tilespmem:$0x10000] =	vst v63  }
.LBB1_8:
0x4f: {  	_ =	sfence.sel $0x180000  }
0x50: {  	s2 =	simm.s32 $0x1;
	[bflag:$0x0] =	sbarrier.arrive $0xFFFF  }
0x51: {  	s31 =	simm.s32 $0x2;
	[sflag:s2] =	ssyncpa.u1 $0x1  }
0x52: {  	[sflag:s31] =	ssyncpa.u1 $0x1  }
0x53: {  	p0 =	sne.s32 s0, $0x0;
	_ =	strace $0x90000047  }
0x54: {  	s0 =	sadd.s32 @!p0 $0x100000, s1;
	[bflag:$0x2] =	sbarrier.arrive $0xFFFF  }
0x55: {  	[sflag:s0] =	ssyncadd.tile.s32 @!p0 $0x1;
	_ =	shalt  }
.Lfunc_end1:
_tile_overlayer_lowered:
.L_overlay_start_2:
0x56: {  	(tag) =	ssettag $0x2  }
0x57: {  	s0 =	rddreg [dreg:$0x0];
	s2 =	stileid.u32  }
0x58: {  	s1 =	rddreg [dreg:$0x1];
	p0 =	sne.s32 s2, $0x0  }
0x59: {  	s3 =	rddreg [dreg:$0x2];
	[bflag:$0x3] =	sbarrier.arrive $0xFFFF;
	s2 =	simm.s32 @!p0 $0x1C01  }
0x5a: {  	[timem:s3], [sflag:s2] =	dma.local @!p0 [hbm:s0], s1  }
0x5b: {  	s0 =	simm.s32 @!p0 $0x1  }
0x5c: {  	_ =	swait.ge @!p0 [sflag:s0], s1  }
0x5d: {  	s1 =	ssub.s32 @!p0 $0x0, s1;
	[sflag:s0] =	ssyncset.done @!p0 $0x0  }
0x5e: {  	[sflag:s0] =	ssyncadd.s32 @!p0 s1  }
0x5f: {  	[bflag:$0x3] =	sbarrier.arrive $0xFFFF  }
0x60: {  	_ =	shalt  }

</sc_bundles>
